<compile_context>
chip_gen: v7x
topology: tpu7x:2x2x1
jax: 0.10.2.dev20260603
libtpu: 0.0.44.dev20260713+nightly
codegen_flags: <defaults>
</compile_context>

<pallas_src>
import functools

import jax
import jax.numpy as jnp
import numpy as np
from jax import lax
from jax.experimental import pallas as pl
from jax.experimental.pallas import tpu as pltpu
from jax.experimental.pallas import tpu_sc as plsc

_NC = 2
_NS = 16
_NW = _NC * _NS
_CH = 128


def _sc_gather(nf, s_idx, r_idx):
    E = s_idx.shape[0]
    D = nf.shape[1]
    n_chunks = E // _CH
    nk = n_chunks // _NW
    rem = n_chunks % _NW
    mesh = plsc.VectorSubcoreMesh(core_axis_name="c", subcore_axis_name="s")

    @functools.partial(
        pl.kernel,
        out_type=(jax.ShapeDtypeStruct((E, D), jnp.float32),
                  jax.ShapeDtypeStruct((E, D), jnp.float32)),
        mesh=mesh,
        scratch_types=[
            pltpu.VMEM((_CH,), jnp.int32),
            pltpu.VMEM((_CH,), jnp.int32),
            pltpu.VMEM((_CH, D), jnp.float32),
            pltpu.VMEM((_CH, D), jnp.float32),
            pltpu.SemaphoreType.DMA,
            pltpu.SemaphoreType.DMA,
        ],
    )
    def k(nf_hbm, s_hbm, r_hbm, xs_hbm, xr_hbm, si_v, ri_v, sr_v, rr_v, sem_s, sem_r):
        wid = lax.axis_index("s") * _NC + lax.axis_index("c")

        def do_chunk(c):
            base = c * _CH
            pltpu.sync_copy(s_hbm.at[pl.ds(base, _CH)], si_v)
            pltpu.sync_copy(r_hbm.at[pl.ds(base, _CH)], ri_v)
            cp_s = pltpu.async_copy(nf_hbm.at[si_v], sr_v, sem_s)
            cp_r = pltpu.async_copy(nf_hbm.at[ri_v], rr_v, sem_r)
            cp_s.wait()
            cp_r.wait()
            pltpu.sync_copy(sr_v, xs_hbm.at[pl.ds(base, _CH)])
            pltpu.sync_copy(rr_v, xr_hbm.at[pl.ds(base, _CH)])

        @pl.loop(0, nk)
        def _(i):
            do_chunk(i * _NW + wid)

        if rem:
            @pl.when(wid < rem)
            def _():
                do_chunk(nk * _NW + wid)

    return k(nf, s_idx, r_idx)


_NSPLIT = 5120
_DUMP = _NSPLIT
_ACC_ROWS = 5248


def _sc_scatter_add(m, r_idx, n_nodes):
    E, C = m.shape
    n_chunks = E // _CH
    nk = n_chunks // _NS
    rem = n_chunks % _NS
    rows_per_sub = _ACC_ROWS // _NS
    zeros = jnp.zeros((_ACC_ROWS, C), jnp.float32)
    mesh = plsc.VectorSubcoreMesh(core_axis_name="c", subcore_axis_name="s")

    @functools.partial(
        pl.kernel,
        out_type=jax.ShapeDtypeStruct((_NC, _ACC_ROWS, C), jnp.float32),
        mesh=mesh,
        scratch_types=[
            pltpu.VMEM((_CH,), jnp.int32),
            pltpu.VMEM((_CH,), jnp.int32),
            pltpu.VMEM((_CH, C), jnp.float32),
            pltpu.VMEM((_CH, C), jnp.float32),
            pltpu.VMEM_SHARED((_ACC_ROWS, C), jnp.float32),
            pltpu.SemaphoreType.DMA,
            pltpu.SemaphoreType.DMA,
        ],
    )
    def k(m_hbm, r_hbm, z_hbm, out_hbm, idx_a, idx_b, rows_a, rows_b,
          acc_sh, sem_a, sem_b):
        cid = lax.axis_index("c")
        sid = lax.axis_index("s")
        lo = cid * _NSPLIT

        pltpu.sync_copy(z_hbm.at[pl.ds(sid * rows_per_sub, rows_per_sub)],
                        acc_sh.at[pl.ds(sid * rows_per_sub, rows_per_sub)])
        plsc.subcore_barrier()

        def start(i, idx_v, rows_v, sem):
            base = (i * _NS + sid) * _CH
            pltpu.async_copy(r_hbm.at[pl.ds(base, _CH)], idx_v, sem)
            pltpu.async_copy(m_hbm.at[pl.ds(base, _CH)], rows_v, sem)

        def wait(idx_v, rows_v, sem):
            pltpu.make_async_copy(r_hbm.at[pl.ds(0, _CH)], idx_v, sem).wait()
            pltpu.make_async_copy(m_hbm.at[pl.ds(0, _CH)], rows_v, sem).wait()

        def process(idx_v, rows_v):
            for j in range(_CH // 16):
                raw = idx_v[pl.ds(j * 16, 16)]
                v = raw - lo
                oob = jnp.logical_or(v < 0, v >= _NSPLIT)
                idx_v[pl.ds(j * 16, 16)] = jnp.where(
                    oob, _DUMP + (raw & 127), v)
            pltpu.sync_copy(rows_v, acc_sh.at[idx_v], add=True)

        start(0, idx_a, rows_a, sem_a)

        @pl.loop(0, nk // 2)
        def _(t):
            start(2 * t + 1, idx_b, rows_b, sem_b)
            wait(idx_a, rows_a, sem_a)
            process(idx_a, rows_a)

            @pl.when(2 * t + 2 < nk)
            def _():
                start(2 * t + 2, idx_a, rows_a, sem_a)

            wait(idx_b, rows_b, sem_b)
            process(idx_b, rows_b)

        if nk % 2:
            wait(idx_a, rows_a, sem_a)
            process(idx_a, rows_a)

        if rem:
            @pl.when(sid < rem)
            def _():
                base = (nk * _NS + sid) * _CH
                pltpu.sync_copy(r_hbm.at[pl.ds(base, _CH)], idx_a)
                pltpu.sync_copy(m_hbm.at[pl.ds(base, _CH)], rows_a)
                process(idx_a, rows_a)

        plsc.subcore_barrier()
        pltpu.sync_copy(
            acc_sh.at[pl.ds(sid * rows_per_sub, rows_per_sub)],
            out_hbm.at[cid, pl.ds(sid * rows_per_sub, rows_per_sub)])

    return k(m, r_idx, zeros)


def _tc_edge_mlp(xs, xr, xe, w1s, w1r, w1e, b1, w2, b2):
    E, D = xs.shape
    DE = xe.shape[1]
    H = w1s.shape[1]
    C = w2.shape[1]
    BE = 2000

    def body(xs_ref, xr_ref, xe_ref, w1s_ref, w1r_ref, w1e_ref, b1_ref,
             w2_ref, b2_ref, o_ref):
        h = (jnp.dot(xs_ref[...], w1s_ref[...], preferred_element_type=jnp.float32)
             + jnp.dot(xr_ref[...], w1r_ref[...], preferred_element_type=jnp.float32)
             + jnp.dot(xe_ref[...], w1e_ref[...], preferred_element_type=jnp.float32)
             + b1_ref[...])
        h = jax.nn.gelu(h)
        o_ref[...] = (jnp.dot(h, w2_ref[...], preferred_element_type=jnp.float32)
                      + b2_ref[...])

    full = lambda s: pl.BlockSpec(s, lambda i: tuple(0 for _ in s))
    return pl.pallas_call(
        body,
        grid=(E // BE,),
        in_specs=[
            pl.BlockSpec((BE, D), lambda i: (i, 0)),
            pl.BlockSpec((BE, D), lambda i: (i, 0)),
            pl.BlockSpec((BE, DE), lambda i: (i, 0)),
            full((D, H)),
            full((D, H)),
            full((DE, H)),
            full((1, H)),
            full((H, C)),
            full((1, C)),
        ],
        out_specs=pl.BlockSpec((BE, C), lambda i: (i, 0)),
        out_shape=jax.ShapeDtypeStruct((E, C), jnp.float32),
        compiler_params=pltpu.CompilerParams(
            dimension_semantics=("arbitrary",)),
    )(xs, xr, xe, w1s, w1r, w1e, b1, w2, b2)


def _tc_node_mlp(m_cat, nf, w1m, w1x, b1, w2, b2, scale):
    N, D = nf.shape
    C = m_cat.shape[1]
    H = w1m.shape[1]
    DO = w2.shape[1]
    BN = 2000

    def body(m_ref, nf_ref, w1m_ref, w1x_ref, b1_ref, w2_ref, b2_ref, o_ref):
        m = m_ref[...] * scale
        h = (jnp.dot(m, w1m_ref[...], preferred_element_type=jnp.float32)
             + jnp.dot(nf_ref[...], w1x_ref[...], preferred_element_type=jnp.float32)
             + b1_ref[...])
        h = jax.nn.gelu(h)
        o_ref[...] = (jnp.dot(h, w2_ref[...], preferred_element_type=jnp.float32)
                      + b2_ref[...])

    full = lambda s: pl.BlockSpec(s, lambda i: tuple(0 for _ in s))
    return pl.pallas_call(
        body,
        grid=(N // BN,),
        in_specs=[
            pl.BlockSpec((BN, C), lambda i: (i, 0)),
            pl.BlockSpec((BN, D), lambda i: (i, 0)),
            full((C, H)),
            full((D, H)),
            full((1, H)),
            full((H, DO)),
            full((1, DO)),
        ],
        out_specs=pl.BlockSpec((BN, DO), lambda i: (i, 0)),
        out_shape=jax.ShapeDtypeStruct((N, DO), jnp.float32),
        compiler_params=pltpu.CompilerParams(
            dimension_semantics=("arbitrary",)),
    )(m_cat, nf, w1m, w1x, b1, w2, b2)


def kernel(node_features, edge_features, senders, receivers,
           W1_e, b1_e, W2_e, b2_e, W1_n, b1_n, W2_n, b2_n):
    nf = node_features[0]
    xe = edge_features[0]
    s_idx = senders[0].astype(jnp.int32)
    r_idx = receivers[0].astype(jnp.int32)
    N, D = nf.shape
    D_MSG = W2_e.shape[1]
    C = 128

    w1s = W1_e[:D]
    w1r = W1_e[D:2 * D]
    w1e = W1_e[2 * D:]
    b1e = b1_e[None, :]
    w2e = jnp.pad(W2_e, ((0, 0), (0, C - D_MSG)))
    b2e = jnp.pad(b2_e, (0, C - D_MSG))[None, :]

    w1m = jnp.pad(W1_n[:D_MSG], ((0, C - D_MSG), (0, 0)))
    w1x = W1_n[D_MSG:]
    b1n = b1_n[None, :]
    b2n = b2_n[None, :]

    xs, xr = _sc_gather(nf, s_idx, r_idx)
    m = _tc_edge_mlp(xs, xr, xe, w1s, w1r, w1e, b1e, w2e, b2e)
    parts = _sc_scatter_add(m, r_idx, N)
    m_cat = jnp.concatenate([parts[0, :_NSPLIT], parts[1, :N - _NSPLIT]], axis=0)
    out = _tc_node_mlp(m_cat, nf, w1m, w1x, b1n, W2_n, b2n,
                       1.0 / np.sqrt(32.0))
    return out[None]

# --- scband reference (transcript-rebuilt; emitter-appended) ---
"""Pipeline reference for scband-gnnblock-45414984188101 (READ-ONLY COPY).

The authoritative reference and input builder live on the scoring server;
editing this copy changes nothing except your own understanding.
"""

import jax, jax.numpy as jnp
import numpy as np

B = 1
N = 10000
E = 320000
D = 128
DE = 16
N_LOCAL = 32
D_EDGE_IN = 2 * D + DE          # 272, included_positions='self_and_neighbor'
D_MSG = D_EDGE_IN // 3          # 90 (reducing_factor=3)
D_PHI_IN = D_MSG + D            # 218
D_OUT = D_PHI_IN // 2           # 109 (reducing_factor=2)


def setup_inputs(seed: int = 0) -> dict:
    key = jax.random.key(seed)
    ks = jax.random.split(key, 8)
    node_features = jax.random.normal(ks[0], (B, N, D), dtype=jnp.float32)
    edge_features = jax.random.normal(ks[1], (B, E, DE), dtype=jnp.float32)
    senders = jax.random.randint(ks[2], (B, E), 0, N)
    receivers = jax.random.randint(ks[3], (B, E), 0, N)

    def vs(k, fan_in, shape):
        # VarianceScaling(1.0) truncated-normal approx with plain normal
        return (jax.random.normal(k, shape, dtype=jnp.float32) / np.sqrt(fan_in)).astype(jnp.float32)

    W1_e = vs(ks[4], D_EDGE_IN, (D_EDGE_IN, D_EDGE_IN))
    b1_e = jnp.zeros((D_EDGE_IN,), jnp.float32)
    W2_e = vs(ks[5], D_EDGE_IN, (D_EDGE_IN, D_MSG))
    b2_e = jnp.zeros((D_MSG,), jnp.float32)
    W1_n = vs(ks[6], D_PHI_IN, (D_PHI_IN, D_PHI_IN))
    b1_n = jnp.zeros((D_PHI_IN,), jnp.float32)
    W2_n = vs(ks[7], D_PHI_IN, (D_PHI_IN, D_OUT))
    b2_n = jnp.zeros((D_OUT,), jnp.float32)
    return {
        'node_features': node_features,
        'edge_features': edge_features,
        'senders': senders,
        'receivers': receivers,
        'W1_e': W1_e, 'b1_e': b1_e, 'W2_e': W2_e, 'b2_e': b2_e,
        'W1_n': W1_n, 'b1_n': b1_n, 'W2_n': W2_n, 'b2_n': b2_n,
    }


def reference(node_features, edge_features, senders, receivers,
              W1_e, b1_e, W2_e, b2_e, W1_n, b1_n, W2_n, b2_n):
    # included_positions = 'self_and_neighbor' (closed over as constant)
    n_nodes = node_features.shape[-2]
    batch_indices = jnp.arange(node_features.shape[0])[:, None]
    node_features_send = node_features[batch_indices, senders]
    node_features_receive = node_features[batch_indices, receivers]
    edge_feat_in = jnp.concatenate(
        [node_features_send, node_features_receive, edge_features], axis=-1)
    # _DenseBlock mlp_edge: Linear -> gelu -> Linear (reducing_factor=3)
    h = jax.nn.gelu(edge_feat_in @ W1_e + b1_e)
    m_ij = h @ W2_e + b2_e
    # scatter_sum per batch element
    m_i = jax.vmap(
        lambda p, r: jax.ops.segment_sum(p, r, num_segments=n_nodes)
    )(m_ij, receivers) / jnp.sqrt(N_LOCAL)
    phi_h_in = jnp.concatenate([m_i, node_features], axis=-1)
    # _DenseBlock node update (reducing_factor=2)
    h2 = jax.nn.gelu(phi_h_in @ W1_n + b1_n)
    features_out = h2 @ W2_n + b2_n
    return features_out

if __name__ == "__main__":
    import jax
    _d = setup_inputs()
    print(jax.jit(kernel)(*tuple(_d.values())))

</pallas_src>

<mosaic_0001>
#map = affine_map<(d0, d1) -> (0, 0)>
#map1 = affine_map<(d0, d1) -> (0)>
#map2 = affine_map<(d0, d1) -> (0, 0, 0)>
module attributes {stable_mosaic.version = 14 : i64} {
  func.func @k(%arg0: i32, %arg1: i32, %arg2: memref<320000x128xf32, #tpu.memory_space<hbm>>, %arg3: memref<320000xi32, #tpu.memory_space<hbm>>, %arg4: memref<5248x128xf32, #tpu.memory_space<hbm>>, %arg5: memref<2x5248x128xf32, #tpu.memory_space<hbm>>, %arg6: memref<128xi32, #tpu.memory_space<vmem>>, %arg7: memref<128xi32, #tpu.memory_space<vmem>>, %arg8: memref<128x128xf32, #tpu.memory_space<vmem>>, %arg9: memref<128x128xf32, #tpu.memory_space<vmem>>, %arg10: memref<5248x128xf32, #tpu.memory_space<vmem_shared>>, %arg11: memref<!tpu.dma_semaphore, #tpu.memory_space<semaphore_mem>>, %arg12: memref<!tpu.dma_semaphore, #tpu.memory_space<semaphore_mem>>) attributes {dimension_semantics = [#tpu.dimension_semantics<core_parallel>, #tpu.dimension_semantics<subcore_parallel>], iteration_bounds = array<i64: 2, 16>, scalar_prefetch = 0 : i64, scratch_operands = 7 : i64, tpu.core_type = #tpu.core_type<sc_vector_subcore>, window_params = [{transform_indices = #map}, {transform_indices = #map1}, {transform_indices = #map}, {transform_indices = #map2}]} {
    %mul3A = arith.constant 5120 : i32
    %mul3A_0 = arith.muli %arg0, %mul3A : i32
    %mul3A_1 = arith.constant 328 : i32
    %mul3A_2 = arith.muli %arg1, %mul3A_1 : i32
    %mul3A_3 = arith.constant 328 : i32
    %mul3A_4 = arith.muli %arg1, %mul3A_3 : i32
    "tpu.region"() ({
      %run_scoped3A = tpu.sem_alloc : memref<!tpu.dma_semaphore, #tpu.memory_space<semaphore_mem>>
      %dma_start3A_24 = arith.constant 0 : i32
      %dma_start3A_25 = tpu.memref_slice %arg10[%mul3A_4, %dma_start3A_24] : memref<5248x128xf32, #tpu.memory_space<vmem_shared>> -> memref<328x128xf32, #tpu.memory_space<vmem_shared>>
      %dma_start3A_26 = arith.constant 0 : i32
      %dma_start3A_27 = tpu.memref_slice %arg4[%mul3A_2, %dma_start3A_26] : memref<5248x128xf32, #tpu.memory_space<hbm>> -> memref<328x128xf32, #tpu.memory_space<hbm>>
      tpu.enqueue_dma source(%dma_start3A_27 : memref<328x128xf32, #tpu.memory_space<hbm>>) target(%dma_start3A_25 : memref<328x128xf32, #tpu.memory_space<vmem_shared>>) target_semaphore(%run_scoped3A : memref<!tpu.dma_semaphore, #tpu.memory_space<semaphore_mem>>)
      %dma_wait3A = arith.constant 0 : i32
      %dma_wait3A_28 = tpu.memref_slice %arg10[%mul3A_4, %dma_wait3A] : memref<5248x128xf32, #tpu.memory_space<vmem_shared>> -> memref<328x128xf32, #tpu.memory_space<vmem_shared>>
      %dma_wait3A_29 = arith.constant 0 : i32
      %dma_wait3A_30 = tpu.memref_slice %arg4[%mul3A_2, %dma_wait3A_29] : memref<5248x128xf32, #tpu.memory_space<hbm>> -> memref<328x128xf32, #tpu.memory_space<hbm>>
      tpu.wait_dma2 semaphore(%run_scoped3A : memref<!tpu.dma_semaphore, #tpu.memory_space<semaphore_mem>>) src(%dma_wait3A_30 : memref<328x128xf32, #tpu.memory_space<hbm>>) dst(%dma_wait3A_28 : memref<328x128xf32, #tpu.memory_space<vmem_shared>>)
      tpu.yield
    }) : () -> ()
    %barrier3A = arith.constant 0 : index
    tpu.barrier barrier_id(%barrier3A)
    %add3A = arith.constant 0 : i32
    %add3A_5 = arith.addi %add3A, %arg1 : i32
    %mul3A_6 = arith.constant 128 : i32
    %mul3A_7 = arith.muli %add3A_5, %mul3A_6 : i32
    %dma_start3A = tpu.memref_slice %arg3[%mul3A_7] : memref<320000xi32, #tpu.memory_space<hbm>> -> memref<128xi32, #tpu.memory_space<hbm>>
    %dma_start3A_8 = tpu.memref_slice %arg3[%mul3A_7] : memref<320000xi32, #tpu.memory_space<hbm>> -> memref<128xi32, #tpu.memory_space<hbm>>
    tpu.enqueue_dma source(%dma_start3A_8 : memref<128xi32, #tpu.memory_space<hbm>>) target(%arg6 : memref<128xi32, #tpu.memory_space<vmem>>) target_semaphore(%arg11 : memref<!tpu.dma_semaphore, #tpu.memory_space<semaphore_mem>>)
    %dma_start3A_9 = arith.constant 0 : i32
    %dma_start3A_10 = tpu.memref_slice %arg2[%mul3A_7, %dma_start3A_9] : memref<320000x128xf32, #tpu.memory_space<hbm>> -> memref<128x128xf32, #tpu.memory_space<hbm>>
    %dma_start3A_11 = arith.constant 0 : i32
    %dma_start3A_12 = tpu.memref_slice %arg2[%mul3A_7, %dma_start3A_11] : memref<320000x128xf32, #tpu.memory_space<hbm>> -> memref<128x128xf32, #tpu.memory_space<hbm>>
    tpu.enqueue_dma source(%dma_start3A_12 : memref<128x128xf32, #tpu.memory_space<hbm>>) target(%arg8 : memref<128x128xf32, #tpu.memory_space<vmem>>) target_semaphore(%arg11 : memref<!tpu.dma_semaphore, #tpu.memory_space<semaphore_mem>>)
    %scan3A = arith.constant 0 : i32
    %scan3A_13 = arith.constant 78 : i32
    %scan3A_14 = arith.addi %scan3A, %scan3A_13 : i32
    %scan3A_15 = arith.constant 1 : i32
    scf.for %scan3A_24 = %scan3A to %scan3A_14 step %scan3A_15  : i32 {
      %mul3A_25 = arith.constant 1 : i32
      %mul3A_26 = arith.muli %scan3A_24, %mul3A_25 : i32
      %add3A_27 = arith.constant 0 : i32
      %add3A_28 = arith.addi %add3A_27, %mul3A_26 : i32
      %mul3A_29 = arith.constant 2 : i32
      %mul3A_30 = arith.muli %mul3A_29, %add3A_28 : i32
      %add3A_31 = arith.constant 1 : i32
      %add3A_32 = arith.addi %mul3A_30, %add3A_31 : i32
      %mul3A_33 = arith.constant 16 : i32
      %mul3A_34 = arith.muli %add3A_32, %mul3A_33 : i32
      %add3A_35 = arith.addi %mul3A_34, %arg1 : i32
      %mul3A_36 = arith.constant 128 : i32
      %mul3A_37 = arith.muli %add3A_35, %mul3A_36 : i32
      %dma_start3A_38 = tpu.memref_slice %arg3[%mul3A_37] : memref<320000xi32, #tpu.memory_space<hbm>> -> memref<128xi32, #tpu.memory_space<hbm>>
      %dma_start3A_39 = tpu.memref_slice %arg3[%mul3A_37] : memref<320000xi32, #tpu.memory_space<hbm>> -> memref<128xi32, #tpu.memory_space<hbm>>
      tpu.enqueue_dma source(%dma_start3A_39 : memref<128xi32, #tpu.memory_space<hbm>>) target(%arg7 : memref<128xi32, #tpu.memory_space<vmem>>) target_semaphore(%arg12 : memref<!tpu.dma_semaphore, #tpu.memory_space<semaphore_mem>>)
      %dma_start3A_40 = arith.constant 0 : i32
      %dma_start3A_41 = tpu.memref_slice %arg2[%mul3A_37, %dma_start3A_40] : memref<320000x128xf32, #tpu.memory_space<hbm>> -> memref<128x128xf32, #tpu.memory_space<hbm>>
      %dma_start3A_42 = arith.constant 0 : i32
      %dma_start3A_43 = tpu.memref_slice %arg2[%mul3A_37, %dma_start3A_42] : memref<320000x128xf32, #tpu.memory_space<hbm>> -> memref<128x128xf32, #tpu.memory_space<hbm>>
      tpu.enqueue_dma source(%dma_start3A_43 : memref<128x128xf32, #tpu.memory_space<hbm>>) target(%arg9 : memref<128x128xf32, #tpu.memory_space<vmem>>) target_semaphore(%arg12 : memref<!tpu.dma_semaphore, #tpu.memory_space<semaphore_mem>>)
      %dma_wait3A = arith.constant 0 : i32
      %dma_wait3A_44 = tpu.memref_slice %arg3[%dma_wait3A] : memref<320000xi32, #tpu.memory_space<hbm>> -> memref<128xi32, #tpu.memory_space<hbm>>
      %dma_wait3A_45 = arith.constant 0 : i32
      %dma_wait3A_46 = tpu.memref_slice %arg3[%dma_wait3A_45] : memref<320000xi32, #tpu.memory_space<hbm>> -> memref<128xi32, #tpu.memory_space<hbm>>
      tpu.wait_dma2 semaphore(%arg11 : memref<!tpu.dma_semaphore, #tpu.memory_space<semaphore_mem>>) src(%dma_wait3A_46 : memref<128xi32, #tpu.memory_space<hbm>>) dst(%arg6 : memref<128xi32, #tpu.memory_space<vmem>>)
      %dma_wait3A_47 = arith.constant 0 : i32
      %dma_wait3A_48 = arith.constant 0 : i32
      %dma_wait3A_49 = tpu.memref_slice %arg2[%dma_wait3A_47, %dma_wait3A_48] : memref<320000x128xf32, #tpu.memory_space<hbm>> -> memref<128x128xf32, #tpu.memory_space<hbm>>
      %dma_wait3A_50 = arith.constant 0 : i32
      %dma_wait3A_51 = arith.constant 0 : i32
      %dma_wait3A_52 = tpu.memref_slice %arg2[%dma_wait3A_50, %dma_wait3A_51] : memref<320000x128xf32, #tpu.memory_space<hbm>> -> memref<128x128xf32, #tpu.memory_space<hbm>>
      tpu.wait_dma2 semaphore(%arg11 : memref<!tpu.dma_semaphore, #tpu.memory_space<semaphore_mem>>) src(%dma_wait3A_52 : memref<128x128xf32, #tpu.memory_space<hbm>>) dst(%arg8 : memref<128x128xf32, #tpu.memory_space<vmem>>)
      %get3A = arith.constant 0 : index
      %get3A_53 = tpu.vector_load %arg6[%get3A] {strides = array<i32>} : memref<128xi32, #tpu.memory_space<vmem>>, vector<16xi32>,
      %get3A_54 = vector.shape_cast %get3A_53 : vector<16xi32> to vector<16xi32>
      %sub3A = vector.broadcast %mul3A_0 : i32 to vector<16xi32>
      %sub3A_55 = arith.subi %get3A_54, %sub3A : vector<16xi32>
      %lt3A_56 = arith.constant 0 : i32
      %lt3A_57 = vector.broadcast %lt3A_56 : i32 to vector<16xi32>
      %lt3A_58 = arith.cmpi slt, %sub3A_55, %lt3A_57 : vector<16xi32>
      %ge3A = arith.constant 5120 : i32
      %ge3A_59 = vector.broadcast %ge3A : i32 to vector<16xi32>
      %ge3A_60 = arith.cmpi sge, %sub3A_55, %ge3A_59 : vector<16xi32>
      %or3A = arith.ori %lt3A_58, %ge3A_60 : vector<16xi1>
      %and3A = arith.constant 127 : i32
      %and3A_61 = vector.broadcast %and3A : i32 to vector<16xi32>
      %and3A_62 = arith.andi %get3A_54, %and3A_61 : vector<16xi32>
      %add3A_63 = arith.constant 5120 : i32
      %add3A_64 = vector.broadcast %add3A_63 : i32 to vector<16xi32>
      %add3A_65 = arith.addi %add3A_64, %and3A_62 : vector<16xi32>
      %select_n3A = arith.select %or3A, %add3A_65, %sub3A_55 : vector<16xi1>, vector<16xi32>
      %swap3A = arith.constant 0 : index
      %swap3A_66 = tpu.vector_load %arg6[%swap3A] {strides = array<i32>} : memref<128xi32, #tpu.memory_space<vmem>>, vector<16xi32>,
      %swap3A_67 = vector.shape_cast %swap3A_66 : vector<16xi32> to vector<16xi32>
      %swap3A_68 = vector.shape_cast %select_n3A : vector<16xi32> to vector<16xi32>
      tpu.vector_store %arg6[%swap3A], %swap3A_68 {strides = array<i32>} : memref<128xi32, #tpu.memory_space<vmem>>, vector<16xi32>,
      %get3A_69 = arith.constant 16 : index
      %get3A_70 = tpu.vector_load %arg6[%get3A_69] {strides = array<i32>} : memref<128xi32, #tpu.memory_space<vmem>>, vector<16xi32>,
      %get3A_71 = vector.shape_cast %get3A_70 : vector<16xi32> to vector<16xi32>
      %sub3A_72 = vector.broadcast %mul3A_0 : i32 to vector<16xi32>
      %sub3A_73 = arith.subi %get3A_71, %sub3A_72 : vector<16xi32>
      %lt3A_74 = arith.constant 0 : i32
      %lt3A_75 = vector.broadcast %lt3A_74 : i32 to vector<16xi32>
      %lt3A_76 = arith.cmpi slt, %sub3A_73, %lt3A_75 : vector<16xi32>
      %ge3A_77 = arith.constant 5120 : i32
      %ge3A_78 = vector.broadcast %ge3A_77 : i32 to vector<16xi32>
      %ge3A_79 = arith.cmpi sge, %sub3A_73, %ge3A_78 : vector<16xi32>
      %or3A_80 = arith.ori %lt3A_76, %ge3A_79 : vector<16xi1>
      %and3A_81 = arith.constant 127 : i32
      %and3A_82 = vector.broadcast %and3A_81 : i32 to vector<16xi32>
      %and3A_83 = arith.andi %get3A_71, %and3A_82 : vector<16xi32>
      %add3A_84 = arith.constant 5120 : i32
      %add3A_85 = vector.broadcast %add3A_84 : i32 to vector<16xi32>
      %add3A_86 = arith.addi %add3A_85, %and3A_83 : vector<16xi32>
      %select_n3A_87 = arith.select %or3A_80, %add3A_86, %sub3A_73 : vector<16xi1>, vector<16xi32>
      %swap3A_88 = arith.constant 16 : index
      %swap3A_89 = tpu.vector_load %arg6[%swap3A_88] {strides = array<i32>} : memref<128xi32, #tpu.memory_space<vmem>>, vector<16xi32>,
      %swap3A_90 = vector.shape_cast %swap3A_89 : vector<16xi32> to vector<16xi32>
      %swap3A_91 = vector.shape_cast %select_n3A_87 : vector<16xi32> to vector<16xi32>
      tpu.vector_store %arg6[%swap3A_88], %swap3A_91 {strides = array<i32>} : memref<128xi32, #tpu.memory_space<vmem>>, vector<16xi32>,
      %get3A_92 = arith.constant 32 : index
      %get3A_93 = tpu.vector_load %arg6[%get3A_92] {strides = array<i32>} : memref<128xi32, #tpu.memory_space<vmem>>, vector<16xi32>,
      %get3A_94 = vector.shape_cast %get3A_93 : vector<16xi32> to vector<16xi32>
      %sub3A_95 = vector.broadcast %mul3A_0 : i32 to vector<16xi32>
      %sub3A_96 = arith.subi %get3A_94, %sub3A_95 : vector<16xi32>
      %lt3A_97 = arith.constant 0 : i32
      %lt3A_98 = vector.broadcast %lt3A_97 : i32 to vector<16xi32>
      %lt3A_99 = arith.cmpi slt, %sub3A_96, %lt3A_98 : vector<16xi32>
      %ge3A_100 = arith.constant 5120 : i32
      %ge3A_101 = vector.broadcast %ge3A_100 : i32 to vector<16xi32>
      %ge3A_102 = arith.cmpi sge, %sub3A_96, %ge3A_101 : vector<16xi32>
      %or3A_103 = arith.ori %lt3A_99, %ge3A_102 : vector<16xi1>
      %and3A_104 = arith.constant 127 : i32
      %and3A_105 = vector.broadcast %and3A_104 : i32 to vector<16xi32>
      %and3A_106 = arith.andi %get3A_94, %and3A_105 : vector<16xi32>
      %add3A_107 = arith.constant 5120 : i32
      %add3A_108 = vector.broadcast %add3A_107 : i32 to vector<16xi32>
      %add3A_109 = arith.addi %add3A_108, %and3A_106 : vector<16xi32>
      %select_n3A_110 = arith.select %or3A_103, %add3A_109, %sub3A_96 : vector<16xi1>, vector<16xi32>
      %swap3A_111 = arith.constant 32 : index
      %swap3A_112 = tpu.vector_load %arg6[%swap3A_111] {strides = array<i32>} : memref<128xi32, #tpu.memory_space<vmem>>, vector<16xi32>,
      %swap3A_113 = vector.shape_cast %swap3A_112 : vector<16xi32> to vector<16xi32>
      %swap3A_114 = vector.shape_cast %select_n3A_110 : vector<16xi32> to vector<16xi32>
      tpu.vector_store %arg6[%swap3A_111], %swap3A_114 {strides = array<i32>} : memref<128xi32, #tpu.memory_space<vmem>>, vector<16xi32>,
      %get3A_115 = arith.constant 48 : index
      %get3A_116 = tpu.vector_load %arg6[%get3A_115] {strides = array<i32>} : memref<128xi32, #tpu.memory_space<vmem>>, vector<16xi32>,
      %get3A_117 = vector.shape_cast %get3A_116 : vector<16xi32> to vector<16xi32>
      %sub3A_118 = vector.broadcast %mul3A_0 : i32 to vector<16xi32>
      %sub3A_119 = arith.subi %get3A_117, %sub3A_118 : vector<16xi32>
      %lt3A_120 = arith.constant 0 : i32
      %lt3A_121 = vector.broadcast %lt3A_120 : i32 to vector<16xi32>
      %lt3A_122 = arith.cmpi slt, %sub3A_119, %lt3A_121 : vector<16xi32>
      %ge3A_123 = arith.constant 5120 : i32
      %ge3A_124 = vector.broadcast %ge3A_123 : i32 to vector<16xi32>
      %ge3A_125 = arith.cmpi sge, %sub3A_119, %ge3A_124 : vector<16xi32>
      %or3A_126 = arith.ori %lt3A_122, %ge3A_125 : vector<16xi1>
      %and3A_127 = arith.constant 127 : i32
      %and3A_128 = vector.broadcast %and3A_127 : i32 to vector<16xi32>
      %and3A_129 = arith.andi %get3A_117, %and3A_128 : vector<16xi32>
      %add3A_130 = arith.constant 5120 : i32
      %add3A_131 = vector.broadcast %add3A_130 : i32 to vector<16xi32>
      %add3A_132 = arith.addi %add3A_131, %and3A_129 : vector<16xi32>
      %select_n3A_133 = arith.select %or3A_126, %add3A_132, %sub3A_119 : vector<16xi1>, vector<16xi32>
      %swap3A_134 = arith.constant 48 : index
      %swap3A_135 = tpu.vector_load %arg6[%swap3A_134] {strides = array<i32>} : memref<128xi32, #tpu.memory_space<vmem>>, vector<16xi32>,
      %swap3A_136 = vector.shape_cast %swap3A_135 : vector<16xi32> to vector<16xi32>
      %swap3A_137 = vector.shape_cast %select_n3A_133 : vector<16xi32> to vector<16xi32>
      tpu.vector_store %arg6[%swap3A_134], %swap3A_137 {strides = array<i32>} : memref<128xi32, #tpu.memory_space<vmem>>, vector<16xi32>,
      %get3A_138 = arith.constant 64 : index
      %get3A_139 = tpu.vector_load %arg6[%get3A_138] {strides = array<i32>} : memref<128xi32, #tpu.memory_space<vmem>>, vector<16xi32>,
      %get3A_140 = vector.shape_cast %get3A_139 : vector<16xi32> to vector<16xi32>
      %sub3A_141 = vector.broadcast %mul3A_0 : i32 to vector<16xi32>
      %sub3A_142 = arith.subi %get3A_140, %sub3A_141 : vector<16xi32>
      %lt3A_143 = arith.constant 0 : i32
      %lt3A_144 = vector.broadcast %lt3A_143 : i32 to vector<16xi32>
      %lt3A_145 = arith.cmpi slt, %sub3A_142, %lt3A_144 : vector<16xi32>
      %ge3A_146 = arith.constant 5120 : i32
      %ge3A_147 = vector.broadcast %ge3A_146 : i32 to vector<16xi32>
      %ge3A_148 = arith.cmpi sge, %sub3A_142, %ge3A_147 : vector<16xi32>
      %or3A_149 = arith.ori %lt3A_145, %ge3A_148 : vector<16xi1>
      %and3A_150 = arith.constant 127 : i32
      %and3A_151 = vector.broadcast %and3A_150 : i32 to vector<16xi32>
      %and3A_152 = arith.andi %get3A_140, %and3A_151 : vector<16xi32>
      %add3A_153 = arith.constant 5120 : i32
      %add3A_154 = vector.broadcast %add3A_153 : i32 to vector<16xi32>
      %add3A_155 = arith.addi %add3A_154, %and3A_152 : vector<16xi32>
      %select_n3A_156 = arith.select %or3A_149, %add3A_155, %sub3A_142 : vector<16xi1>, vector<16xi32>
      %swap3A_157 = arith.constant 64 : index
      %swap3A_158 = tpu.vector_load %arg6[%swap3A_157] {strides = array<i32>} : memref<128xi32, #tpu.memory_space<vmem>>, vector<16xi32>,
      %swap3A_159 = vector.shape_cast %swap3A_158 : vector<16xi32> to vector<16xi32>
      %swap3A_160 = vector.shape_cast %select_n3A_156 : vector<16xi32> to vector<16xi32>
      tpu.vector_store %arg6[%swap3A_157], %swap3A_160 {strides = array<i32>} : memref<128xi32, #tpu.memory_space<vmem>>, vector<16xi32>,
      %get3A_161 = arith.constant 80 : index
      %get3A_162 = tpu.vector_load %arg6[%get3A_161] {strides = array<i32>} : memref<128xi32, #tpu.memory_space<vmem>>, vector<16xi32>,
      %get3A_163 = vector.shape_cast %get3A_162 : vector<16xi32> to vector<16xi32>
      %sub3A_164 = vector.broadcast %mul3A_0 : i32 to vector<16xi32>
      %sub3A_165 = arith.subi %get3A_163, %sub3A_164 : vector<16xi32>
      %lt3A_166 = arith.constant 0 : i32
      %lt3A_167 = vector.broadcast %lt3A_166 : i32 to vector<16xi32>
      %lt3A_168 = arith.cmpi slt, %sub3A_165, %lt3A_167 : vector<16xi32>
      %ge3A_169 = arith.constant 5120 : i32
      %ge3A_170 = vector.broadcast %ge3A_169 : i32 to vector<16xi32>
      %ge3A_171 = arith.cmpi sge, %sub3A_165, %ge3A_170 : vector<16xi32>
      %or3A_172 = arith.ori %lt3A_168, %ge3A_171 : vector<16xi1>
      %and3A_173 = arith.constant 127 : i32
      %and3A_174 = vector.broadcast %and3A_173 : i32 to vector<16xi32>
      %and3A_175 = arith.andi %get3A_163, %and3A_174 : vector<16xi32>
      %add3A_176 = arith.constant 5120 : i32
      %add3A_177 = vector.broadcast %add3A_176 : i32 to vector<16xi32>
      %add3A_178 = arith.addi %add3A_177, %and3A_175 : vector<16xi32>
      %select_n3A_179 = arith.select %or3A_172, %add3A_178, %sub3A_165 : vector<16xi1>, vector<16xi32>
      %swap3A_180 = arith.constant 80 : index
      %swap3A_181 = tpu.vector_load %arg6[%swap3A_180] {strides = array<i32>} : memref<128xi32, #tpu.memory_space<vmem>>, vector<16xi32>,
      %swap3A_182 = vector.shape_cast %swap3A_181 : vector<16xi32> to vector<16xi32>
      %swap3A_183 = vector.shape_cast %select_n3A_179 : vector<16xi32> to vector<16xi32>
      tpu.vector_store %arg6[%swap3A_180], %swap3A_183 {strides = array<i32>} : memref<128xi32, #tpu.memory_space<vmem>>, vector<16xi32>,
      %get3A_184 = arith.constant 96 : index
      %get3A_185 = tpu.vector_load %arg6[%get3A_184] {strides = array<i32>} : memref<128xi32, #tpu.memory_space<vmem>>, vector<16xi32>,
      %get3A_186 = vector.shape_cast %get3A_185 : vector<16xi32> to vector<16xi32>
      %sub3A_187 = vector.broadcast %mul3A_0 : i32 to vector<16xi32>
      %sub3A_188 = arith.subi %get3A_186, %sub3A_187 : vector<16xi32>
      %lt3A_189 = arith.constant 0 : i32
      %lt3A_190 = vector.broadcast %lt3A_189 : i32 to vector<16xi32>
      %lt3A_191 = arith.cmpi slt, %sub3A_188, %lt3A_190 : vector<16xi32>
      %ge3A_192 = arith.constant 5120 : i32
      %ge3A_193 = vector.broadcast %ge3A_192 : i32 to vector<16xi32>
      %ge3A_194 = arith.cmpi sge, %sub3A_188, %ge3A_193 : vector<16xi32>
      %or3A_195 = arith.ori %lt3A_191, %ge3A_194 : vector<16xi1>
      %and3A_196 = arith.constant 127 : i32
      %and3A_197 = vector.broadcast %and3A_196 : i32 to vector<16xi32>
      %and3A_198 = arith.andi %get3A_186, %and3A_197 : vector<16xi32>
      %add3A_199 = arith.constant 5120 : i32
      %add3A_200 = vector.broadcast %add3A_199 : i32 to vector<16xi32>
      %add3A_201 = arith.addi %add3A_200, %and3A_198 : vector<16xi32>
      %select_n3A_202 = arith.select %or3A_195, %add3A_201, %sub3A_188 : vector<16xi1>, vector<16xi32>
      %swap3A_203 = arith.constant 96 : index
      %swap3A_204 = tpu.vector_load %arg6[%swap3A_203] {strides = array<i32>} : memref<128xi32, #tpu.memory_space<vmem>>, vector<16xi32>,
      %swap3A_205 = vector.shape_cast %swap3A_204 : vector<16xi32> to vector<16xi32>
      %swap3A_206 = vector.shape_cast %select_n3A_202 : vector<16xi32> to vector<16xi32>
      tpu.vector_store %arg6[%swap3A_203], %swap3A_206 {strides = array<i32>} : memref<128xi32, #tpu.memory_space<vmem>>, vector<16xi32>,
      %get3A_207 = arith.constant 112 : index
      %get3A_208 = tpu.vector_load %arg6[%get3A_207] {strides = array<i32>} : memref<128xi32, #tpu.memory_space<vmem>>, vector<16xi32>,
      %get3A_209 = vector.shape_cast %get3A_208 : vector<16xi32> to vector<16xi32>
      %sub3A_210 = vector.broadcast %mul3A_0 : i32 to vector<16xi32>
      %sub3A_211 = arith.subi %get3A_209, %sub3A_210 : vector<16xi32>
      %lt3A_212 = arith.constant 0 : i32
      %lt3A_213 = vector.broadcast %lt3A_212 : i32 to vector<16xi32>
      %lt3A_214 = arith.cmpi slt, %sub3A_211, %lt3A_213 : vector<16xi32>
      %ge3A_215 = arith.constant 5120 : i32
      %ge3A_216 = vector.broadcast %ge3A_215 : i32 to vector<16xi32>
      %ge3A_217 = arith.cmpi sge, %sub3A_211, %ge3A_216 : vector<16xi32>
      %or3A_218 = arith.ori %lt3A_214, %ge3A_217 : vector<16xi1>
      %and3A_219 = arith.constant 127 : i32
      %and3A_220 = vector.broadcast %and3A_219 : i32 to vector<16xi32>
      %and3A_221 = arith.andi %get3A_209, %and3A_220 : vector<16xi32>
      %add3A_222 = arith.constant 5120 : i32
      %add3A_223 = vector.broadcast %add3A_222 : i32 to vector<16xi32>
      %add3A_224 = arith.addi %add3A_223, %and3A_221 : vector<16xi32>
      %select_n3A_225 = arith.select %or3A_218, %add3A_224, %sub3A_211 : vector<16xi1>, vector<16xi32>
      %swap3A_226 = arith.constant 112 : index
      %swap3A_227 = tpu.vector_load %arg6[%swap3A_226] {strides = array<i32>} : memref<128xi32, #tpu.memory_space<vmem>>, vector<16xi32>,
      %swap3A_228 = vector.shape_cast %swap3A_227 : vector<16xi32> to vector<16xi32>
      %swap3A_229 = vector.shape_cast %select_n3A_225 : vector<16xi32> to vector<16xi32>
      tpu.vector_store %arg6[%swap3A_226], %swap3A_229 {strides = array<i32>} : memref<128xi32, #tpu.memory_space<vmem>>, vector<16xi32>,
      "tpu.region"() ({
        %run_scoped3A = tpu.sem_alloc : memref<!tpu.dma_semaphore, #tpu.memory_space<semaphore_mem>>
        %dma_start3A_433 = arith.constant 0 : i32
        %dma_start3A_434 = arith.constant 0 : i32
        %dma_start3A_435 = tpu.memref_slice %arg10[%dma_start3A_433, %dma_start3A_434] : memref<5248x128xf32, #tpu.memory_space<vmem_shared>> -> memref<5248x128xf32, #tpu.memory_space<vmem_shared>>
        tpu.enqueue_indirect_dma source(%arg8 : memref<128x128xf32, #tpu.memory_space<vmem>>) target(%dma_start3A_435 : memref<5248x128xf32, #tpu.memory_space<vmem_shared>>) offsets(%arg6 : memref<128xi32, #tpu.memory_space<vmem>>) semaphore(%run_scoped3A : memref<!tpu.dma_semaphore, #tpu.memory_space<semaphore_mem>>) {add = true}
        %dma_wait3A_436 = arith.constant 0 : i32
        %dma_wait3A_437 = arith.constant 0 : i32
        %dma_wait3A_438 = tpu.memref_slice %arg10[%dma_wait3A_436, %dma_wait3A_437] : memref<5248x128xf32, #tpu.memory_space<vmem_shared>> -> memref<5248x128xf32, #tpu.memory_space<vmem_shared>>
        tpu.wait_indirect_dma semaphore(%run_scoped3A : memref<!tpu.dma_semaphore, #tpu.memory_space<semaphore_mem>>) src(%arg8 : memref<128x128xf32, #tpu.memory_space<vmem>>) dst(%dma_wait3A_438 : memref<5248x128xf32, #tpu.memory_space<vmem_shared>>)
        tpu.yield
      }) : () -> ()
      %mul3A_230 = arith.constant 2 : i32
      %mul3A_231 = arith.muli %mul3A_230, %add3A_28 : i32
      %add3A_232 = arith.constant 2 : i32
      %add3A_233 = arith.addi %mul3A_231, %add3A_232 : i32
      %lt3A_234 = arith.constant 156 : i32
      %lt3A_235 = arith.cmpi slt, %add3A_233, %lt3A_234 : i32
      %convert_element_type3A_236 = arith.extui %lt3A_235 : i1 to i32
      %cond3A_237 = arith.constant 0 : i32
      %cond3A_238 = arith.cmpi ne, %convert_element_type3A_236, %cond3A_237 : i32
      scf.if %cond3A_238 {
        %mul3A_433 = arith.constant 2 : i32
        %mul3A_434 = arith.muli %mul3A_433, %add3A_28 : i32
        %add3A_435 = arith.constant 2 : i32
        %add3A_436 = arith.addi %mul3A_434, %add3A_435 : i32
        %mul3A_437 = arith.constant 16 : i32
        %mul3A_438 = arith.muli %add3A_436, %mul3A_437 : i32
        %add3A_439 = arith.addi %mul3A_438, %arg1 : i32
        %mul3A_440 = arith.constant 128 : i32
        %mul3A_441 = arith.muli %add3A_439, %mul3A_440 : i32
        %dma_start3A_442 = tpu.memref_slice %arg3[%mul3A_441] : memref<320000xi32, #tpu.memory_space<hbm>> -> memref<128xi32, #tpu.memory_space<hbm>>
        %dma_start3A_443 = tpu.memref_slice %arg3[%mul3A_441] : memref<320000xi32, #tpu.memory_space<hbm>> -> memref<128xi32, #tpu.memory_space<hbm>>
        tpu.enqueue_dma source(%dma_start3A_443 : memref<128xi32, #tpu.memory_space<hbm>>) target(%arg6 : memref<128xi32, #tpu.memory_space<vmem>>) target_semaphore(%arg11 : memref<!tpu.dma_semaphore, #tpu.memory_space<semaphore_mem>>)
        %dma_start3A_444 = arith.constant 0 : i32
        %dma_start3A_445 = tpu.memref_slice %arg2[%mul3A_441, %dma_start3A_444] : memref<320000x128xf32, #tpu.memory_space<hbm>> -> memref<128x128xf32, #tpu.memory_space<hbm>>
        %dma_start3A_446 = arith.constant 0 : i32
        %dma_start3A_447 = tpu.memref_slice %arg2[%mul3A_441, %dma_start3A_446] : memref<320000x128xf32, #tpu.memory_space<hbm>> -> memref<128x128xf32, #tpu.memory_space<hbm>>
        tpu.enqueue_dma source(%dma_start3A_447 : memref<128x128xf32, #tpu.memory_space<hbm>>) target(%arg8 : memref<128x128xf32, #tpu.memory_space<vmem>>) target_semaphore(%arg11 : memref<!tpu.dma_semaphore, #tpu.memory_space<semaphore_mem>>)
      } else {
      }
      %dma_wait3A_239 = arith.constant 0 : i32
      %dma_wait3A_240 = tpu.memref_slice %arg3[%dma_wait3A_239] : memref<320000xi32, #tpu.memory_space<hbm>> -> memref<128xi32, #tpu.memory_space<hbm>>
      %dma_wait3A_241 = arith.constant 0 : i32
      %dma_wait3A_242 = tpu.memref_slice %arg3[%dma_wait3A_241] : memref<320000xi32, #tpu.memory_space<hbm>> -> memref<128xi32, #tpu.memory_space<hbm>>
      tpu.wait_dma2 semaphore(%arg12 : memref<!tpu.dma_semaphore, #tpu.memory_space<semaphore_mem>>) src(%dma_wait3A_242 : memref<128xi32, #tpu.memory_space<hbm>>) dst(%arg7 : memref<128xi32, #tpu.memory_space<vmem>>)
      %dma_wait3A_243 = arith.constant 0 : i32
      %dma_wait3A_244 = arith.constant 0 : i32
      %dma_wait3A_245 = tpu.memref_slice %arg2[%dma_wait3A_243, %dma_wait3A_244] : memref<320000x128xf32, #tpu.memory_space<hbm>> -> memref<128x128xf32, #tpu.memory_space<hbm>>
      %dma_wait3A_246 = arith.constant 0 : i32
      %dma_wait3A_247 = arith.constant 0 : i32
      %dma_wait3A_248 = tpu.memref_slice %arg2[%dma_wait3A_246, %dma_wait3A_247] : memref<320000x128xf32, #tpu.memory_space<hbm>> -> memref<128x128xf32, #tpu.memory_space<hbm>>
      tpu.wait_dma2 semaphore(%arg12 : memref<!tpu.dma_semaphore, #tpu.memory_space<semaphore_mem>>) src(%dma_wait3A_248 : memref<128x128xf32, #tpu.memory_space<hbm>>) dst(%arg9 : memref<128x128xf32, #tpu.memory_space<vmem>>)
      %get3A_249 = arith.constant 0 : index
      %get3A_250 = tpu.vector_load %arg7[%get3A_249] {strides = array<i32>} : memref<128xi32, #tpu.memory_space<vmem>>, vector<16xi32>,
      %get3A_251 = vector.shape_cast %get3A_250 : vector<16xi32> to vector<16xi32>
      %sub3A_252 = vector.broadcast %mul3A_0 : i32 to vector<16xi32>
      %sub3A_253 = arith.subi %get3A_251, %sub3A_252 : vector<16xi32>
      %lt3A_254 = arith.constant 0 : i32
      %lt3A_255 = vector.broadcast %lt3A_254 : i32 to vector<16xi32>
      %lt3A_256 = arith.cmpi slt, %sub3A_253, %lt3A_255 : vector<16xi32>
      %ge3A_257 = arith.constant 5120 : i32
      %ge3A_258 = vector.broadcast %ge3A_257 : i32 to vector<16xi32>
      %ge3A_259 = arith.cmpi sge, %sub3A_253, %ge3A_258 : vector<16xi32>
      %or3A_260 = arith.ori %lt3A_256, %ge3A_259 : vector<16xi1>
      %and3A_261 = arith.constant 127 : i32
      %and3A_262 = vector.broadcast %and3A_261 : i32 to vector<16xi32>
      %and3A_263 = arith.andi %get3A_251, %and3A_262 : vector<16xi32>
      %add3A_264 = arith.constant 5120 : i32
      %add3A_265 = vector.broadcast %add3A_264 : i32 to vector<16xi32>
      %add3A_266 = arith.addi %add3A_265, %and3A_263 : vector<16xi32>
      %select_n3A_267 = arith.select %or3A_260, %add3A_266, %sub3A_253 : vector<16xi1>, vector<16xi32>
      %swap3A_268 = arith.constant 0 : index
      %swap3A_269 = tpu.vector_load %arg7[%swap3A_268] {strides = array<i32>} : memref<128xi32, #tpu.memory_space<vmem>>, vector<16xi32>,
      %swap3A_270 = vector.shape_cast %swap3A_269 : vector<16xi32> to vector<16xi32>
      %swap3A_271 = vector.shape_cast %select_n3A_267 : vector<16xi32> to vector<16xi32>
      tpu.vector_store %arg7[%swap3A_268], %swap3A_271 {strides = array<i32>} : memref<128xi32, #tpu.memory_space<vmem>>, vector<16xi32>,
      %get3A_272 = arith.constant 16 : index
      %get3A_273 = tpu.vector_load %arg7[%get3A_272] {strides = array<i32>} : memref<128xi32, #tpu.memory_space<vmem>>, vector<16xi32>,
      %get3A_274 = vector.shape_cast %get3A_273 : vector<16xi32> to vector<16xi32>
      %sub3A_275 = vector.broadcast %mul3A_0 : i32 to vector<16xi32>
      %sub3A_276 = arith.subi %get3A_274, %sub3A_275 : vector<16xi32>
      %lt3A_277 = arith.constant 0 : i32
      %lt3A_278 = vector.broadcast %lt3A_277 : i32 to vector<16xi32>
      %lt3A_279 = arith.cmpi slt, %sub3A_276, %lt3A_278 : vector<16xi32>
      %ge3A_280 = arith.constant 5120 : i32
      %ge3A_281 = vector.broadcast %ge3A_280 : i32 to vector<16xi32>
      %ge3A_282 = arith.cmpi sge, %sub3A_276, %ge3A_281 : vector<16xi32>
      %or3A_283 = arith.ori %lt3A_279, %ge3A_282 : vector<16xi1>
      %and3A_284 = arith.constant 127 : i32
      %and3A_285 = vector.broadcast %and3A_284 : i32 to vector<16xi32>
      %and3A_286 = arith.andi %get3A_274, %and3A_285 : vector<16xi32>
      %add3A_287 = arith.constant 5120 : i32
      %add3A_288 = vector.broadcast %add3A_287 : i32 to vector<16xi32>
      %add3A_289 = arith.addi %add3A_288, %and3A_286 : vector<16xi32>
      %select_n3A_290 = arith.select %or3A_283, %add3A_289, %sub3A_276 : vector<16xi1>, vector<16xi32>
      %swap3A_291 = arith.constant 16 : index
      %swap3A_292 = tpu.vector_load %arg7[%swap3A_291] {strides = array<i32>} : memref<128xi32, #tpu.memory_space<vmem>>, vector<16xi32>,
      %swap3A_293 = vector.shape_cast %swap3A_292 : vector<16xi32> to vector<16xi32>
      %swap3A_294 = vector.shape_cast %select_n3A_290 : vector<16xi32> to vector<16xi32>
      tpu.vector_store %arg7[%swap3A_291], %swap3A_294 {strides = array<i32>} : memref<128xi32, #tpu.memory_space<vmem>>, vector<16xi32>,
      %get3A_295 = arith.constant 32 : index
      %get3A_296 = tpu.vector_load %arg7[%get3A_295] {strides = array<i32>} : memref<128xi32, #tpu.memory_space<vmem>>, vector<16xi32>,
      %get3A_297 = vector.shape_cast %get3A_296 : vector<16xi32> to vector<16xi32>
      %sub3A_298 = vector.broadcast %mul3A_0 : i32 to vector<16xi32>
      %sub3A_299 = arith.subi %get3A_297, %sub3A_298 : vector<16xi32>
      %lt3A_300 = arith.constant 0 : i32
      %lt3A_301 = vector.broadcast %lt3A_300 : i32 to vector<16xi32>
      %lt3A_302 = arith.cmpi slt, %sub3A_299, %lt3A_301 : vector<16xi32>
      %ge3A_303 = arith.constant 5120 : i32
      %ge3A_304 = vector.broadcast %ge3A_303 : i32 to vector<16xi32>
      %ge3A_305 = arith.cmpi sge, %sub3A_299, %ge3A_304 : vector<16xi32>
      %or3A_306 = arith.ori %lt3A_302, %ge3A_305 : vector<16xi1>
      %and3A_307 = arith.constant 127 : i32
      %and3A_308 = vector.broadcast %and3A_307 : i32 to vector<16xi32>
      %and3A_309 = arith.andi %get3A_297, %and3A_308 : vector<16xi32>
      %add3A_310 = arith.constant 5120 : i32
      %add3A_311 = vector.broadcast %add3A_310 : i32 to vector<16xi32>
      %add3A_312 = arith.addi %add3A_311, %and3A_309 : vector<16xi32>
      %select_n3A_313 = arith.select %or3A_306, %add3A_312, %sub3A_299 : vector<16xi1>, vector<16xi32>
      %swap3A_314 = arith.constant 32 : index
      %swap3A_315 = tpu.vector_load %arg7[%swap3A_314] {strides = array<i32>} : memref<128xi32, #tpu.memory_space<vmem>>, vector<16xi32>,
      %swap3A_316 = vector.shape_cast %swap3A_315 : vector<16xi32> to vector<16xi32>
      %swap3A_317 = vector.shape_cast %select_n3A_313 : vector<16xi32> to vector<16xi32>
      tpu.vector_store %arg7[%swap3A_314], %swap3A_317 {strides = array<i32>} : memref<128xi32, #tpu.memory_space<vmem>>, vector<16xi32>,
      %get3A_318 = arith.constant 48 : index
      %get3A_319 = tpu.vector_load %arg7[%get3A_318] {strides = array<i32>} : memref<128xi32, #tpu.memory_space<vmem>>, vector<16xi32>,
      %get3A_320 = vector.shape_cast %get3A_319 : vector<16xi32> to vector<16xi32>
      %sub3A_321 = vector.broadcast %mul3A_0 : i32 to vector<16xi32>
      %sub3A_322 = arith.subi %get3A_320, %sub3A_321 : vector<16xi32>
      %lt3A_323 = arith.constant 0 : i32
      %lt3A_324 = vector.broadcast %lt3A_323 : i32 to vector<16xi32>
      %lt3A_325 = arith.cmpi slt, %sub3A_322, %lt3A_324 : vector<16xi32>
      %ge3A_326 = arith.constant 5120 : i32
      %ge3A_327 = vector.broadcast %ge3A_326 : i32 to vector<16xi32>
      %ge3A_328 = arith.cmpi sge, %sub3A_322, %ge3A_327 : vector<16xi32>
      %or3A_329 = arith.ori %lt3A_325, %ge3A_328 : vector<16xi1>
      %and3A_330 = arith.constant 127 : i32
      %and3A_331 = vector.broadcast %and3A_330 : i32 to vector<16xi32>
      %and3A_332 = arith.andi %get3A_320, %and3A_331 : vector<16xi32>
      %add3A_333 = arith.constant 5120 : i32
      %add3A_334 = vector.broadcast %add3A_333 : i32 to vector<16xi32>
      %add3A_335 = arith.addi %add3A_334, %and3A_332 : vector<16xi32>
      %select_n3A_336 = arith.select %or3A_329, %add3A_335, %sub3A_322 : vector<16xi1>, vector<16xi32>
      %swap3A_337 = arith.constant 48 : index
      %swap3A_338 = tpu.vector_load %arg7[%swap3A_337] {strides = array<i32>} : memref<128xi32, #tpu.memory_space<vmem>>, vector<16xi32>,
      %swap3A_339 = vector.shape_cast %swap3A_338 : vector<16xi32> to vector<16xi32>
      %swap3A_340 = vector.shape_cast %select_n3A_336 : vector<16xi32> to vector<16xi32>
      tpu.vector_store %arg7[%swap3A_337], %swap3A_340 {strides = array<i32>} : memref<128xi32, #tpu.memory_space<vmem>>, vector<16xi32>,
      %get3A_341 = arith.constant 64 : index
      %get3A_342 = tpu.vector_load %arg7[%get3A_341] {strides = array<i32>} : memref<128xi32, #tpu.memory_space<vmem>>, vector<16xi32>,
      %get3A_343 = vector.shape_cast %get3A_342 : vector<16xi32> to vector<16xi32>
      %sub3A_344 = vector.broadcast %mul3A_0 : i32 to vector<16xi32>
      %sub3A_345 = arith.subi %get3A_343, %sub3A_344 : vector<16xi32>
      %lt3A_346 = arith.constant 0 : i32
      %lt3A_347 = vector.broadcast %lt3A_346 : i32 to vector<16xi32>
      %lt3A_348 = arith.cmpi slt, %sub3A_345, %lt3A_347 : vector<16xi32>
      %ge3A_349 = arith.constant 5120 : i32
      %ge3A_350 = vector.broadcast %ge3A_349 : i32 to vector<16xi32>
      %ge3A_351 = arith.cmpi sge, %sub3A_345, %ge3A_350 : vector<16xi32>
      %or3A_352 = arith.ori %lt3A_348, %ge3A_351 : vector<16xi1>
      %and3A_353 = arith.constant 127 : i32
      %and3A_354 = vector.broadcast %and3A_353 : i32 to vector<16xi32>
      %and3A_355 = arith.andi %get3A_343, %and3A_354 : vector<16xi32>
      %add3A_356 = arith.constant 5120 : i32
      %add3A_357 = vector.broadcast %add3A_356 : i32 to vector<16xi32>
      %add3A_358 = arith.addi %add3A_357, %and3A_355 : vector<16xi32>
      %select_n3A_359 = arith.select %or3A_352, %add3A_358, %sub3A_345 : vector<16xi1>, vector<16xi32>
      %swap3A_360 = arith.constant 64 : index
      %swap3A_361 = tpu.vector_load %arg7[%swap3A_360] {strides = array<i32>} : memref<128xi32, #tpu.memory_space<vmem>>, vector<16xi32>,
      %swap3A_362 = vector.shape_cast %swap3A_361 : vector<16xi32> to vector<16xi32>
      %swap3A_363 = vector.shape_cast %select_n3A_359 : vector<16xi32> to vector<16xi32>
      tpu.vector_store %arg7[%swap3A_360], %swap3A_363 {strides = array<i32>} : memref<128xi32, #tpu.memory_space<vmem>>, vector<16xi32>,
      %get3A_364 = arith.constant 80 : index
      %get3A_365 = tpu.vector_load %arg7[%get3A_364] {strides = array<i32>} : memref<128xi32, #tpu.memory_space<vmem>>, vector<16xi32>,
      %get3A_366 = vector.shape_cast %get3A_365 : vector<16xi32> to vector<16xi32>
      %sub3A_367 = vector.broadcast %mul3A_0 : i32 to vector<16xi32>
      %sub3A_368 = arith.subi %get3A_366, %sub3A_367 : vector<16xi32>
      %lt3A_369 = arith.constant 0 : i32
      %lt3A_370 = vector.broadcast %lt3A_369 : i32 to vector<16xi32>
      %lt3A_371 = arith.cmpi slt, %sub3A_368, %lt3A_370 : vector<16xi32>
      %ge3A_372 = arith.constant 5120 : i32
      %ge3A_373 = vector.broadcast %ge3A_372 : i32 to vector<16xi32>
      %ge3A_374 = arith.cmpi sge, %sub3A_368, %ge3A_373 : vector<16xi32>
      %or3A_375 = arith.ori %lt3A_371, %ge3A_374 : vector<16xi1>
      %and3A_376 = arith.constant 127 : i32
      %and3A_377 = vector.broadcast %and3A_376 : i32 to vector<16xi32>
      %and3A_378 = arith.andi %get3A_366, %and3A_377 : vector<16xi32>
      %add3A_379 = arith.constant 5120 : i32
      %add3A_380 = vector.broadcast %add3A_379 : i32 to vector<16xi32>
      %add3A_381 = arith.addi %add3A_380, %and3A_378 : vector<16xi32>
      %select_n3A_382 = arith.select %or3A_375, %add3A_381, %sub3A_368 : vector<16xi1>, vector<16xi32>
      %swap3A_383 = arith.constant 80 : index
      %swap3A_384 = tpu.vector_load %arg7[%swap3A_383] {strides = array<i32>} : memref<128xi32, #tpu.memory_space<vmem>>, vector<16xi32>,
      %swap3A_385 = vector.shape_cast %swap3A_384 : vector<16xi32> to vector<16xi32>
      %swap3A_386 = vector.shape_cast %select_n3A_382 : vector<16xi32> to vector<16xi32>
      tpu.vector_store %arg7[%swap3A_383], %swap3A_386 {strides = array<i32>} : memref<128xi32, #tpu.memory_space<vmem>>, vector<16xi32>,
      %get3A_387 = arith.constant 96 : index
      %get3A_388 = tpu.vector_load %arg7[%get3A_387] {strides = array<i32>} : memref<128xi32, #tpu.memory_space<vmem>>, vector<16xi32>,
      %get3A_389 = vector.shape_cast %get3A_388 : vector<16xi32> to vector<16xi32>
      %sub3A_390 = vector.broadcast %mul3A_0 : i32 to vector<16xi32>
      %sub3A_391 = arith.subi %get3A_389, %sub3A_390 : vector<16xi32>
      %lt3A_392 = arith.constant 0 : i32
      %lt3A_393 = vector.broadcast %lt3A_392 : i32 to vector<16xi32>
      %lt3A_394 = arith.cmpi slt, %sub3A_391, %lt3A_393 : vector<16xi32>
      %ge3A_395 = arith.constant 5120 : i32
      %ge3A_396 = vector.broadcast %ge3A_395 : i32 to vector<16xi32>
      %ge3A_397 = arith.cmpi sge, %sub3A_391, %ge3A_396 : vector<16xi32>
      %or3A_398 = arith.ori %lt3A_394, %ge3A_397 : vector<16xi1>
      %and3A_399 = arith.constant 127 : i32
      %and3A_400 = vector.broadcast %and3A_399 : i32 to vector<16xi32>
      %and3A_401 = arith.andi %get3A_389, %and3A_400 : vector<16xi32>
      %add3A_402 = arith.constant 5120 : i32
      %add3A_403 = vector.broadcast %add3A_402 : i32 to vector<16xi32>
      %add3A_404 = arith.addi %add3A_403, %and3A_401 : vector<16xi32>
      %select_n3A_405 = arith.select %or3A_398, %add3A_404, %sub3A_391 : vector<16xi1>, vector<16xi32>
      %swap3A_406 = arith.constant 96 : index
      %swap3A_407 = tpu.vector_load %arg7[%swap3A_406] {strides = array<i32>} : memref<128xi32, #tpu.memory_space<vmem>>, vector<16xi32>,
      %swap3A_408 = vector.shape_cast %swap3A_407 : vector<16xi32> to vector<16xi32>
      %swap3A_409 = vector.shape_cast %select_n3A_405 : vector<16xi32> to vector<16xi32>
      tpu.vector_store %arg7[%swap3A_406], %swap3A_409 {strides = array<i32>} : memref<128xi32, #tpu.memory_space<vmem>>, vector<16xi32>,
      %get3A_410 = arith.constant 112 : index
      %get3A_411 = tpu.vector_load %arg7[%get3A_410] {strides = array<i32>} : memref<128xi32, #tpu.memory_space<vmem>>, vector<16xi32>,
      %get3A_412 = vector.shape_cast %get3A_411 : vector<16xi32> to vector<16xi32>
      %sub3A_413 = vector.broadcast %mul3A_0 : i32 to vector<16xi32>
      %sub3A_414 = arith.subi %get3A_412, %sub3A_413 : vector<16xi32>
      %lt3A_415 = arith.constant 0 : i32
      %lt3A_416 = vector.broadcast %lt3A_415 : i32 to vector<16xi32>
      %lt3A_417 = arith.cmpi slt, %sub3A_414, %lt3A_416 : vector<16xi32>
      %ge3A_418 = arith.constant 5120 : i32
      %ge3A_419 = vector.broadcast %ge3A_418 : i32 to vector<16xi32>
      %ge3A_420 = arith.cmpi sge, %sub3A_414, %ge3A_419 : vector<16xi32>
      %or3A_421 = arith.ori %lt3A_417, %ge3A_420 : vector<16xi1>
      %and3A_422 = arith.constant 127 : i32
      %and3A_423 = vector.broadcast %and3A_422 : i32 to vector<16xi32>
      %and3A_424 = arith.andi %get3A_412, %and3A_423 : vector<16xi32>
      %add3A_425 = arith.constant 5120 : i32
      %add3A_426 = vector.broadcast %add3A_425 : i32 to vector<16xi32>
      %add3A_427 = arith.addi %add3A_426, %and3A_424 : vector<16xi32>
      %select_n3A_428 = arith.select %or3A_421, %add3A_427, %sub3A_414 : vector<16xi1>, vector<16xi32>
      %swap3A_429 = arith.constant 112 : index
      %swap3A_430 = tpu.vector_load %arg7[%swap3A_429] {strides = array<i32>} : memref<128xi32, #tpu.memory_space<vmem>>, vector<16xi32>,
      %swap3A_431 = vector.shape_cast %swap3A_430 : vector<16xi32> to vector<16xi32>
      %swap3A_432 = vector.shape_cast %select_n3A_428 : vector<16xi32> to vector<16xi32>
      tpu.vector_store %arg7[%swap3A_429], %swap3A_432 {strides = array<i32>} : memref<128xi32, #tpu.memory_space<vmem>>, vector<16xi32>,
      "tpu.region"() ({
        %run_scoped3A = tpu.sem_alloc : memref<!tpu.dma_semaphore, #tpu.memory_space<semaphore_mem>>
        %dma_start3A_433 = arith.constant 0 : i32
        %dma_start3A_434 = arith.constant 0 : i32
        %dma_start3A_435 = tpu.memref_slice %arg10[%dma_start3A_433, %dma_start3A_434] : memref<5248x128xf32, #tpu.memory_space<vmem_shared>> -> memref<5248x128xf32, #tpu.memory_space<vmem_shared>>
        tpu.enqueue_indirect_dma source(%arg9 : memref<128x128xf32, #tpu.memory_space<vmem>>) target(%dma_start3A_435 : memref<5248x128xf32, #tpu.memory_space<vmem_shared>>) offsets(%arg7 : memref<128xi32, #tpu.memory_space<vmem>>) semaphore(%run_scoped3A : memref<!tpu.dma_semaphore, #tpu.memory_space<semaphore_mem>>) {add = true}
        %dma_wait3A_436 = arith.constant 0 : i32
        %dma_wait3A_437 = arith.constant 0 : i32
        %dma_wait3A_438 = tpu.memref_slice %arg10[%dma_wait3A_436, %dma_wait3A_437] : memref<5248x128xf32, #tpu.memory_space<vmem_shared>> -> memref<5248x128xf32, #tpu.memory_space<vmem_shared>>
        tpu.wait_indirect_dma semaphore(%run_scoped3A : memref<!tpu.dma_semaphore, #tpu.memory_space<semaphore_mem>>) src(%arg9 : memref<128x128xf32, #tpu.memory_space<vmem>>) dst(%dma_wait3A_438 : memref<5248x128xf32, #tpu.memory_space<vmem_shared>>)
        tpu.yield
      }) : () -> ()
    }
    %scan3A_16 = arith.constant 78 : i32
    %lt3A = arith.constant 4 : i32
    %lt3A_17 = arith.cmpi slt, %arg1, %lt3A : i32
    %convert_element_type3A = arith.extui %lt3A_17 : i1 to i32
    %cond3A = arith.constant 0 : i32
    %cond3A_18 = arith.cmpi ne, %convert_element_type3A, %cond3A : i32
    scf.if %cond3A_18 {
      %add3A_24 = arith.constant 2496 : i32
      %add3A_25 = arith.addi %add3A_24, %arg1 : i32
      %mul3A_26 = arith.constant 128 : i32
      %mul3A_27 = arith.muli %add3A_25, %mul3A_26 : i32
      "tpu.region"() ({
        %run_scoped3A = tpu.sem_alloc : memref<!tpu.dma_semaphore, #tpu.memory_space<semaphore_mem>>
        %dma_start3A_205 = tpu.memref_slice %arg3[%mul3A_27] : memref<320000xi32, #tpu.memory_space<hbm>> -> memref<128xi32, #tpu.memory_space<hbm>>
        %dma_start3A_206 = tpu.memref_slice %arg3[%mul3A_27] : memref<320000xi32, #tpu.memory_space<hbm>> -> memref<128xi32, #tpu.memory_space<hbm>>
        tpu.enqueue_dma source(%dma_start3A_206 : memref<128xi32, #tpu.memory_space<hbm>>) target(%arg6 : memref<128xi32, #tpu.memory_space<vmem>>) target_semaphore(%run_scoped3A : memref<!tpu.dma_semaphore, #tpu.memory_space<semaphore_mem>>)
        %dma_wait3A = tpu.memref_slice %arg3[%mul3A_27] : memref<320000xi32, #tpu.memory_space<hbm>> -> memref<128xi32, #tpu.memory_space<hbm>>
        %dma_wait3A_207 = tpu.memref_slice %arg3[%mul3A_27] : memref<320000xi32, #tpu.memory_space<hbm>> -> memref<128xi32, #tpu.memory_space<hbm>>
        tpu.wait_dma2 semaphore(%run_scoped3A : memref<!tpu.dma_semaphore, #tpu.memory_space<semaphore_mem>>) src(%dma_wait3A_207 : memref<128xi32, #tpu.memory_space<hbm>>) dst(%arg6 : memref<128xi32, #tpu.memory_space<vmem>>)
        tpu.yield
      }) : () -> ()
      "tpu.region"() ({
        %run_scoped3A = tpu.sem_alloc : memref<!tpu.dma_semaphore, #tpu.memory_space<semaphore_mem>>
        %dma_start3A_205 = arith.constant 0 : i32
        %dma_start3A_206 = tpu.memref_slice %arg2[%mul3A_27, %dma_start3A_205] : memref<320000x128xf32, #tpu.memory_space<hbm>> -> memref<128x128xf32, #tpu.memory_space<hbm>>
        %dma_start3A_207 = arith.constant 0 : i32
        %dma_start3A_208 = tpu.memref_slice %arg2[%mul3A_27, %dma_start3A_207] : memref<320000x128xf32, #tpu.memory_space<hbm>> -> memref<128x128xf32, #tpu.memory_space<hbm>>
        tpu.enqueue_dma source(%dma_start3A_208 : memref<128x128xf32, #tpu.memory_space<hbm>>) target(%arg8 : memref<128x128xf32, #tpu.memory_space<vmem>>) target_semaphore(%run_scoped3A : memref<!tpu.dma_semaphore, #tpu.memory_space<semaphore_mem>>)
        %dma_wait3A = arith.constant 0 : i32
        %dma_wait3A_209 = tpu.memref_slice %arg2[%mul3A_27, %dma_wait3A] : memref<320000x128xf32, #tpu.memory_space<hbm>> -> memref<128x128xf32, #tpu.memory_space<hbm>>
        %dma_wait3A_210 = arith.constant 0 : i32
        %dma_wait3A_211 = tpu.memref_slice %arg2[%mul3A_27, %dma_wait3A_210] : memref<320000x128xf32, #tpu.memory_space<hbm>> -> memref<128x128xf32, #tpu.memory_space<hbm>>
        tpu.wait_dma2 semaphore(%run_scoped3A : memref<!tpu.dma_semaphore, #tpu.memory_space<semaphore_mem>>) src(%dma_wait3A_211 : memref<128x128xf32, #tpu.memory_space<hbm>>) dst(%arg8 : memref<128x128xf32, #tpu.memory_space<vmem>>)
        tpu.yield
      }) : () -> ()
      %get3A = arith.constant 0 : index
      %get3A_28 = tpu.vector_load %arg6[%get3A] {strides = array<i32>} : memref<128xi32, #tpu.memory_space<vmem>>, vector<16xi32>,
      %get3A_29 = vector.shape_cast %get3A_28 : vector<16xi32> to vector<16xi32>
      %sub3A = vector.broadcast %mul3A_0 : i32 to vector<16xi32>
      %sub3A_30 = arith.subi %get3A_29, %sub3A : vector<16xi32>
      %lt3A_31 = arith.constant 0 : i32
      %lt3A_32 = vector.broadcast %lt3A_31 : i32 to vector<16xi32>
      %lt3A_33 = arith.cmpi slt, %sub3A_30, %lt3A_32 : vector<16xi32>
      %ge3A = arith.constant 5120 : i32
      %ge3A_34 = vector.broadcast %ge3A : i32 to vector<16xi32>
      %ge3A_35 = arith.cmpi sge, %sub3A_30, %ge3A_34 : vector<16xi32>
      %or3A = arith.ori %lt3A_33, %ge3A_35 : vector<16xi1>
      %and3A = arith.constant 127 : i32
      %and3A_36 = vector.broadcast %and3A : i32 to vector<16xi32>
      %and3A_37 = arith.andi %get3A_29, %and3A_36 : vector<16xi32>
      %add3A_38 = arith.constant 5120 : i32
      %add3A_39 = vector.broadcast %add3A_38 : i32 to vector<16xi32>
      %add3A_40 = arith.addi %add3A_39, %and3A_37 : vector<16xi32>
      %select_n3A = arith.select %or3A, %add3A_40, %sub3A_30 : vector<16xi1>, vector<16xi32>
      %swap3A = arith.constant 0 : index
      %swap3A_41 = tpu.vector_load %arg6[%swap3A] {strides = array<i32>} : memref<128xi32, #tpu.memory_space<vmem>>, vector<16xi32>,
      %swap3A_42 = vector.shape_cast %swap3A_41 : vector<16xi32> to vector<16xi32>
      %swap3A_43 = vector.shape_cast %select_n3A : vector<16xi32> to vector<16xi32>
      tpu.vector_store %arg6[%swap3A], %swap3A_43 {strides = array<i32>} : memref<128xi32, #tpu.memory_space<vmem>>, vector<16xi32>,
      %get3A_44 = arith.constant 16 : index
      %get3A_45 = tpu.vector_load %arg6[%get3A_44] {strides = array<i32>} : memref<128xi32, #tpu.memory_space<vmem>>, vector<16xi32>,
      %get3A_46 = vector.shape_cast %get3A_45 : vector<16xi32> to vector<16xi32>
      %sub3A_47 = vector.broadcast %mul3A_0 : i32 to vector<16xi32>
      %sub3A_48 = arith.subi %get3A_46, %sub3A_47 : vector<16xi32>
      %lt3A_49 = arith.constant 0 : i32
      %lt3A_50 = vector.broadcast %lt3A_49 : i32 to vector<16xi32>
      %lt3A_51 = arith.cmpi slt, %sub3A_48, %lt3A_50 : vector<16xi32>
      %ge3A_52 = arith.constant 5120 : i32
      %ge3A_53 = vector.broadcast %ge3A_52 : i32 to vector<16xi32>
      %ge3A_54 = arith.cmpi sge, %sub3A_48, %ge3A_53 : vector<16xi32>
      %or3A_55 = arith.ori %lt3A_51, %ge3A_54 : vector<16xi1>
      %and3A_56 = arith.constant 127 : i32
      %and3A_57 = vector.broadcast %and3A_56 : i32 to vector<16xi32>
      %and3A_58 = arith.andi %get3A_46, %and3A_57 : vector<16xi32>
      %add3A_59 = arith.constant 5120 : i32
      %add3A_60 = vector.broadcast %add3A_59 : i32 to vector<16xi32>
      %add3A_61 = arith.addi %add3A_60, %and3A_58 : vector<16xi32>
      %select_n3A_62 = arith.select %or3A_55, %add3A_61, %sub3A_48 : vector<16xi1>, vector<16xi32>
      %swap3A_63 = arith.constant 16 : index
      %swap3A_64 = tpu.vector_load %arg6[%swap3A_63] {strides = array<i32>} : memref<128xi32, #tpu.memory_space<vmem>>, vector<16xi32>,
      %swap3A_65 = vector.shape_cast %swap3A_64 : vector<16xi32> to vector<16xi32>
      %swap3A_66 = vector.shape_cast %select_n3A_62 : vector<16xi32> to vector<16xi32>
      tpu.vector_store %arg6[%swap3A_63], %swap3A_66 {strides = array<i32>} : memref<128xi32, #tpu.memory_space<vmem>>, vector<16xi32>,
      %get3A_67 = arith.constant 32 : index
      %get3A_68 = tpu.vector_load %arg6[%get3A_67] {strides = array<i32>} : memref<128xi32, #tpu.memory_space<vmem>>, vector<16xi32>,
      %get3A_69 = vector.shape_cast %get3A_68 : vector<16xi32> to vector<16xi32>
      %sub3A_70 = vector.broadcast %mul3A_0 : i32 to vector<16xi32>
      %sub3A_71 = arith.subi %get3A_69, %sub3A_70 : vector<16xi32>
      %lt3A_72 = arith.constant 0 : i32
      %lt3A_73 = vector.broadcast %lt3A_72 : i32 to vector<16xi32>
      %lt3A_74 = arith.cmpi slt, %sub3A_71, %lt3A_73 : vector<16xi32>
      %ge3A_75 = arith.constant 5120 : i32
      %ge3A_76 = vector.broadcast %ge3A_75 : i32 to vector<16xi32>
      %ge3A_77 = arith.cmpi sge, %sub3A_71, %ge3A_76 : vector<16xi32>
      %or3A_78 = arith.ori %lt3A_74, %ge3A_77 : vector<16xi1>
      %and3A_79 = arith.constant 127 : i32
      %and3A_80 = vector.broadcast %and3A_79 : i32 to vector<16xi32>
      %and3A_81 = arith.andi %get3A_69, %and3A_80 : vector<16xi32>
      %add3A_82 = arith.constant 5120 : i32
      %add3A_83 = vector.broadcast %add3A_82 : i32 to vector<16xi32>
      %add3A_84 = arith.addi %add3A_83, %and3A_81 : vector<16xi32>
      %select_n3A_85 = arith.select %or3A_78, %add3A_84, %sub3A_71 : vector<16xi1>, vector<16xi32>
      %swap3A_86 = arith.constant 32 : index
      %swap3A_87 = tpu.vector_load %arg6[%swap3A_86] {strides = array<i32>} : memref<128xi32, #tpu.memory_space<vmem>>, vector<16xi32>,
      %swap3A_88 = vector.shape_cast %swap3A_87 : vector<16xi32> to vector<16xi32>
      %swap3A_89 = vector.shape_cast %select_n3A_85 : vector<16xi32> to vector<16xi32>
      tpu.vector_store %arg6[%swap3A_86], %swap3A_89 {strides = array<i32>} : memref<128xi32, #tpu.memory_space<vmem>>, vector<16xi32>,
      %get3A_90 = arith.constant 48 : index
      %get3A_91 = tpu.vector_load %arg6[%get3A_90] {strides = array<i32>} : memref<128xi32, #tpu.memory_space<vmem>>, vector<16xi32>,
      %get3A_92 = vector.shape_cast %get3A_91 : vector<16xi32> to vector<16xi32>
      %sub3A_93 = vector.broadcast %mul3A_0 : i32 to vector<16xi32>
      %sub3A_94 = arith.subi %get3A_92, %sub3A_93 : vector<16xi32>
      %lt3A_95 = arith.constant 0 : i32
      %lt3A_96 = vector.broadcast %lt3A_95 : i32 to vector<16xi32>
      %lt3A_97 = arith.cmpi slt, %sub3A_94, %lt3A_96 : vector<16xi32>
      %ge3A_98 = arith.constant 5120 : i32
      %ge3A_99 = vector.broadcast %ge3A_98 : i32 to vector<16xi32>
      %ge3A_100 = arith.cmpi sge, %sub3A_94, %ge3A_99 : vector<16xi32>
      %or3A_101 = arith.ori %lt3A_97, %ge3A_100 : vector<16xi1>
      %and3A_102 = arith.constant 127 : i32
      %and3A_103 = vector.broadcast %and3A_102 : i32 to vector<16xi32>
      %and3A_104 = arith.andi %get3A_92, %and3A_103 : vector<16xi32>
      %add3A_105 = arith.constant 5120 : i32
      %add3A_106 = vector.broadcast %add3A_105 : i32 to vector<16xi32>
      %add3A_107 = arith.addi %add3A_106, %and3A_104 : vector<16xi32>
      %select_n3A_108 = arith.select %or3A_101, %add3A_107, %sub3A_94 : vector<16xi1>, vector<16xi32>
      %swap3A_109 = arith.constant 48 : index
      %swap3A_110 = tpu.vector_load %arg6[%swap3A_109] {strides = array<i32>} : memref<128xi32, #tpu.memory_space<vmem>>, vector<16xi32>,
      %swap3A_111 = vector.shape_cast %swap3A_110 : vector<16xi32> to vector<16xi32>
      %swap3A_112 = vector.shape_cast %select_n3A_108 : vector<16xi32> to vector<16xi32>
      tpu.vector_store %arg6[%swap3A_109], %swap3A_112 {strides = array<i32>} : memref<128xi32, #tpu.memory_space<vmem>>, vector<16xi32>,
      %get3A_113 = arith.constant 64 : index
      %get3A_114 = tpu.vector_load %arg6[%get3A_113] {strides = array<i32>} : memref<128xi32, #tpu.memory_space<vmem>>, vector<16xi32>,
      %get3A_115 = vector.shape_cast %get3A_114 : vector<16xi32> to vector<16xi32>
      %sub3A_116 = vector.broadcast %mul3A_0 : i32 to vector<16xi32>
      %sub3A_117 = arith.subi %get3A_115, %sub3A_116 : vector<16xi32>
      %lt3A_118 = arith.constant 0 : i32
      %lt3A_119 = vector.broadcast %lt3A_118 : i32 to vector<16xi32>
      %lt3A_120 = arith.cmpi slt, %sub3A_117, %lt3A_119 : vector<16xi32>
      %ge3A_121 = arith.constant 5120 : i32
      %ge3A_122 = vector.broadcast %ge3A_121 : i32 to vector<16xi32>
      %ge3A_123 = arith.cmpi sge, %sub3A_117, %ge3A_122 : vector<16xi32>
      %or3A_124 = arith.ori %lt3A_120, %ge3A_123 : vector<16xi1>
      %and3A_125 = arith.constant 127 : i32
      %and3A_126 = vector.broadcast %and3A_125 : i32 to vector<16xi32>
      %and3A_127 = arith.andi %get3A_115, %and3A_126 : vector<16xi32>
      %add3A_128 = arith.constant 5120 : i32
      %add3A_129 = vector.broadcast %add3A_128 : i32 to vector<16xi32>
      %add3A_130 = arith.addi %add3A_129, %and3A_127 : vector<16xi32>
      %select_n3A_131 = arith.select %or3A_124, %add3A_130, %sub3A_117 : vector<16xi1>, vector<16xi32>
      %swap3A_132 = arith.constant 64 : index
      %swap3A_133 = tpu.vector_load %arg6[%swap3A_132] {strides = array<i32>} : memref<128xi32, #tpu.memory_space<vmem>>, vector<16xi32>,
      %swap3A_134 = vector.shape_cast %swap3A_133 : vector<16xi32> to vector<16xi32>
      %swap3A_135 = vector.shape_cast %select_n3A_131 : vector<16xi32> to vector<16xi32>
      tpu.vector_store %arg6[%swap3A_132], %swap3A_135 {strides = array<i32>} : memref<128xi32, #tpu.memory_space<vmem>>, vector<16xi32>,
      %get3A_136 = arith.constant 80 : index
      %get3A_137 = tpu.vector_load %arg6[%get3A_136] {strides = array<i32>} : memref<128xi32, #tpu.memory_space<vmem>>, vector<16xi32>,
      %get3A_138 = vector.shape_cast %get3A_137 : vector<16xi32> to vector<16xi32>
      %sub3A_139 = vector.broadcast %mul3A_0 : i32 to vector<16xi32>
      %sub3A_140 = arith.subi %get3A_138, %sub3A_139 : vector<16xi32>
      %lt3A_141 = arith.constant 0 : i32
      %lt3A_142 = vector.broadcast %lt3A_141 : i32 to vector<16xi32>
      %lt3A_143 = arith.cmpi slt, %sub3A_140, %lt3A_142 : vector<16xi32>
      %ge3A_144 = arith.constant 5120 : i32
      %ge3A_145 = vector.broadcast %ge3A_144 : i32 to vector<16xi32>
      %ge3A_146 = arith.cmpi sge, %sub3A_140, %ge3A_145 : vector<16xi32>
      %or3A_147 = arith.ori %lt3A_143, %ge3A_146 : vector<16xi1>
      %and3A_148 = arith.constant 127 : i32
      %and3A_149 = vector.broadcast %and3A_148 : i32 to vector<16xi32>
      %and3A_150 = arith.andi %get3A_138, %and3A_149 : vector<16xi32>
      %add3A_151 = arith.constant 5120 : i32
      %add3A_152 = vector.broadcast %add3A_151 : i32 to vector<16xi32>
      %add3A_153 = arith.addi %add3A_152, %and3A_150 : vector<16xi32>
      %select_n3A_154 = arith.select %or3A_147, %add3A_153, %sub3A_140 : vector<16xi1>, vector<16xi32>
      %swap3A_155 = arith.constant 80 : index
      %swap3A_156 = tpu.vector_load %arg6[%swap3A_155] {strides = array<i32>} : memref<128xi32, #tpu.memory_space<vmem>>, vector<16xi32>,
      %swap3A_157 = vector.shape_cast %swap3A_156 : vector<16xi32> to vector<16xi32>
      %swap3A_158 = vector.shape_cast %select_n3A_154 : vector<16xi32> to vector<16xi32>
      tpu.vector_store %arg6[%swap3A_155], %swap3A_158 {strides = array<i32>} : memref<128xi32, #tpu.memory_space<vmem>>, vector<16xi32>,
      %get3A_159 = arith.constant 96 : index
      %get3A_160 = tpu.vector_load %arg6[%get3A_159] {strides = array<i32>} : memref<128xi32, #tpu.memory_space<vmem>>, vector<16xi32>,
      %get3A_161 = vector.shape_cast %get3A_160 : vector<16xi32> to vector<16xi32>
      %sub3A_162 = vector.broadcast %mul3A_0 : i32 to vector<16xi32>
      %sub3A_163 = arith.subi %get3A_161, %sub3A_162 : vector<16xi32>
      %lt3A_164 = arith.constant 0 : i32
      %lt3A_165 = vector.broadcast %lt3A_164 : i32 to vector<16xi32>
      %lt3A_166 = arith.cmpi slt, %sub3A_163, %lt3A_165 : vector<16xi32>
      %ge3A_167 = arith.constant 5120 : i32
      %ge3A_168 = vector.broadcast %ge3A_167 : i32 to vector<16xi32>
      %ge3A_169 = arith.cmpi sge, %sub3A_163, %ge3A_168 : vector<16xi32>
      %or3A_170 = arith.ori %lt3A_166, %ge3A_169 : vector<16xi1>
      %and3A_171 = arith.constant 127 : i32
      %and3A_172 = vector.broadcast %and3A_171 : i32 to vector<16xi32>
      %and3A_173 = arith.andi %get3A_161, %and3A_172 : vector<16xi32>
      %add3A_174 = arith.constant 5120 : i32
      %add3A_175 = vector.broadcast %add3A_174 : i32 to vector<16xi32>
      %add3A_176 = arith.addi %add3A_175, %and3A_173 : vector<16xi32>
      %select_n3A_177 = arith.select %or3A_170, %add3A_176, %sub3A_163 : vector<16xi1>, vector<16xi32>
      %swap3A_178 = arith.constant 96 : index
      %swap3A_179 = tpu.vector_load %arg6[%swap3A_178] {strides = array<i32>} : memref<128xi32, #tpu.memory_space<vmem>>, vector<16xi32>,
      %swap3A_180 = vector.shape_cast %swap3A_179 : vector<16xi32> to vector<16xi32>
      %swap3A_181 = vector.shape_cast %select_n3A_177 : vector<16xi32> to vector<16xi32>
      tpu.vector_store %arg6[%swap3A_178], %swap3A_181 {strides = array<i32>} : memref<128xi32, #tpu.memory_space<vmem>>, vector<16xi32>,
      %get3A_182 = arith.constant 112 : index
      %get3A_183 = tpu.vector_load %arg6[%get3A_182] {strides = array<i32>} : memref<128xi32, #tpu.memory_space<vmem>>, vector<16xi32>,
      %get3A_184 = vector.shape_cast %get3A_183 : vector<16xi32> to vector<16xi32>
      %sub3A_185 = vector.broadcast %mul3A_0 : i32 to vector<16xi32>
      %sub3A_186 = arith.subi %get3A_184, %sub3A_185 : vector<16xi32>
      %lt3A_187 = arith.constant 0 : i32
      %lt3A_188 = vector.broadcast %lt3A_187 : i32 to vector<16xi32>
      %lt3A_189 = arith.cmpi slt, %sub3A_186, %lt3A_188 : vector<16xi32>
      %ge3A_190 = arith.constant 5120 : i32
      %ge3A_191 = vector.broadcast %ge3A_190 : i32 to vector<16xi32>
      %ge3A_192 = arith.cmpi sge, %sub3A_186, %ge3A_191 : vector<16xi32>
      %or3A_193 = arith.ori %lt3A_189, %ge3A_192 : vector<16xi1>
      %and3A_194 = arith.constant 127 : i32
      %and3A_195 = vector.broadcast %and3A_194 : i32 to vector<16xi32>
      %and3A_196 = arith.andi %get3A_184, %and3A_195 : vector<16xi32>
      %add3A_197 = arith.constant 5120 : i32
      %add3A_198 = vector.broadcast %add3A_197 : i32 to vector<16xi32>
      %add3A_199 = arith.addi %add3A_198, %and3A_196 : vector<16xi32>
      %select_n3A_200 = arith.select %or3A_193, %add3A_199, %sub3A_186 : vector<16xi1>, vector<16xi32>
      %swap3A_201 = arith.constant 112 : index
      %swap3A_202 = tpu.vector_load %arg6[%swap3A_201] {strides = array<i32>} : memref<128xi32, #tpu.memory_space<vmem>>, vector<16xi32>,
      %swap3A_203 = vector.shape_cast %swap3A_202 : vector<16xi32> to vector<16xi32>
      %swap3A_204 = vector.shape_cast %select_n3A_200 : vector<16xi32> to vector<16xi32>
      tpu.vector_store %arg6[%swap3A_201], %swap3A_204 {strides = array<i32>} : memref<128xi32, #tpu.memory_space<vmem>>, vector<16xi32>,
      "tpu.region"() ({
        %run_scoped3A = tpu.sem_alloc : memref<!tpu.dma_semaphore, #tpu.memory_space<semaphore_mem>>
        %dma_start3A_205 = arith.constant 0 : i32
        %dma_start3A_206 = arith.constant 0 : i32
        %dma_start3A_207 = tpu.memref_slice %arg10[%dma_start3A_205, %dma_start3A_206] : memref<5248x128xf32, #tpu.memory_space<vmem_shared>> -> memref<5248x128xf32, #tpu.memory_space<vmem_shared>>
        tpu.enqueue_indirect_dma source(%arg8 : memref<128x128xf32, #tpu.memory_space<vmem>>) target(%dma_start3A_207 : memref<5248x128xf32, #tpu.memory_space<vmem_shared>>) offsets(%arg6 : memref<128xi32, #tpu.memory_space<vmem>>) semaphore(%run_scoped3A : memref<!tpu.dma_semaphore, #tpu.memory_space<semaphore_mem>>) {add = true}
        %dma_wait3A = arith.constant 0 : i32
        %dma_wait3A_208 = arith.constant 0 : i32
        %dma_wait3A_209 = tpu.memref_slice %arg10[%dma_wait3A, %dma_wait3A_208] : memref<5248x128xf32, #tpu.memory_space<vmem_shared>> -> memref<5248x128xf32, #tpu.memory_space<vmem_shared>>
        tpu.wait_indirect_dma semaphore(%run_scoped3A : memref<!tpu.dma_semaphore, #tpu.memory_space<semaphore_mem>>) src(%arg8 : memref<128x128xf32, #tpu.memory_space<vmem>>) dst(%dma_wait3A_209 : memref<5248x128xf32, #tpu.memory_space<vmem_shared>>)
        tpu.yield
      }) : () -> ()
    } else {
    }
    %barrier3A_19 = arith.constant 0 : index
    tpu.barrier barrier_id(%barrier3A_19)
    %mul3A_20 = arith.constant 328 : i32
    %mul3A_21 = arith.muli %arg1, %mul3A_20 : i32
    %mul3A_22 = arith.constant 328 : i32
    %mul3A_23 = arith.muli %arg1, %mul3A_22 : i32
    "tpu.region"() ({
      %run_scoped3A = tpu.sem_alloc : memref<!tpu.dma_semaphore, #tpu.memory_space<semaphore_mem>>
      %dma_start3A_24 = arith.constant 0 : i32
      %dma_start3A_25 = tpu.memref_slice %arg5[%arg0, %mul3A_23, %dma_start3A_24] : memref<2x5248x128xf32, #tpu.memory_space<hbm>> -> memref<1x328x128xf32, #tpu.memory_space<hbm>>
      %dma_start3A_26 = tpu.memref_squeeze %dma_start3A_25 : memref<1x328x128xf32, #tpu.memory_space<hbm>> -> memref<328x128xf32, #tpu.memory_space<hbm>>
      %dma_start3A_27 = arith.constant 0 : i32
      %dma_start3A_28 = tpu.memref_slice %arg10[%mul3A_21, %dma_start3A_27] : memref<5248x128xf32, #tpu.memory_space<vmem_shared>> -> memref<328x128xf32, #tpu.memory_space<vmem_shared>>
      tpu.enqueue_dma source(%dma_start3A_28 : memref<328x128xf32, #tpu.memory_space<vmem_shared>>) target(%dma_start3A_26 : memref<328x128xf32, #tpu.memory_space<hbm>>) target_semaphore(%run_scoped3A : memref<!tpu.dma_semaphore, #tpu.memory_space<semaphore_mem>>)
      %dma_wait3A = arith.constant 0 : i32
      %dma_wait3A_29 = tpu.memref_slice %arg5[%arg0, %mul3A_23, %dma_wait3A] : memref<2x5248x128xf32, #tpu.memory_space<hbm>> -> memref<1x328x128xf32, #tpu.memory_space<hbm>>
      %dma_wait3A_30 = tpu.memref_squeeze %dma_wait3A_29 : memref<1x328x128xf32, #tpu.memory_space<hbm>> -> memref<328x128xf32, #tpu.memory_space<hbm>>
      %dma_wait3A_31 = arith.constant 0 : i32
      %dma_wait3A_32 = tpu.memref_slice %arg10[%mul3A_21, %dma_wait3A_31] : memref<5248x128xf32, #tpu.memory_space<vmem_shared>> -> memref<328x128xf32, #tpu.memory_space<vmem_shared>>
      tpu.wait_dma2 semaphore(%run_scoped3A : memref<!tpu.dma_semaphore, #tpu.memory_space<semaphore_mem>>) src(%dma_wait3A_32 : memref<328x128xf32, #tpu.memory_space<vmem_shared>>) dst(%dma_wait3A_30 : memref<328x128xf32, #tpu.memory_space<hbm>>)
      tpu.yield
    }) : () -> ()
    return
  }
}

#map = affine_map<(d0, d1) -> (0, 0)>
#map1 = affine_map<(d0, d1) -> (0)>
module attributes {stable_mosaic.version = 14 : i64} {
  func.func @k(%arg0: i32, %arg1: i32, %arg2: memref<10000x128xf32, #tpu.memory_space<hbm>>, %arg3: memref<320000xi32, #tpu.memory_space<hbm>>, %arg4: memref<320000xi32, #tpu.memory_space<hbm>>, %arg5: memref<320000x128xf32, #tpu.memory_space<hbm>>, %arg6: memref<320000x128xf32, #tpu.memory_space<hbm>>, %arg7: memref<128xi32, #tpu.memory_space<vmem>>, %arg8: memref<128xi32, #tpu.memory_space<vmem>>, %arg9: memref<128x128xf32, #tpu.memory_space<vmem>>, %arg10: memref<128x128xf32, #tpu.memory_space<vmem>>, %arg11: memref<!tpu.dma_semaphore, #tpu.memory_space<semaphore_mem>>, %arg12: memref<!tpu.dma_semaphore, #tpu.memory_space<semaphore_mem>>) attributes {dimension_semantics = [#tpu.dimension_semantics<core_parallel>, #tpu.dimension_semantics<subcore_parallel>], iteration_bounds = array<i64: 2, 16>, scalar_prefetch = 0 : i64, scratch_operands = 6 : i64, tpu.core_type = #tpu.core_type<sc_vector_subcore>, window_params = [{transform_indices = #map}, {transform_indices = #map1}, {transform_indices = #map1}, {transform_indices = #map}, {transform_indices = #map}]} {
    %mul3A = arith.constant 2 : i32
    %mul3A_0 = arith.muli %arg1, %mul3A : i32
    %add3A = arith.addi %mul3A_0, %arg0 : i32
    %scan3A = arith.constant 0 : i32
    %scan3A_1 = arith.constant 78 : i32
    %scan3A_2 = arith.addi %scan3A, %scan3A_1 : i32
    %scan3A_3 = arith.constant 1 : i32
    scf.for %scan3A_7 = %scan3A to %scan3A_2 step %scan3A_3  : i32 {
      %mul3A_8 = arith.constant 1 : i32
      %mul3A_9 = arith.muli %scan3A_7, %mul3A_8 : i32
      %add3A_10 = arith.constant 0 : i32
      %add3A_11 = arith.addi %add3A_10, %mul3A_9 : i32
      %mul3A_12 = arith.constant 32 : i32
      %mul3A_13 = arith.muli %add3A_11, %mul3A_12 : i32
      %add3A_14 = arith.addi %mul3A_13, %add3A : i32
      %mul3A_15 = arith.constant 128 : i32
      %mul3A_16 = arith.muli %add3A_14, %mul3A_15 : i32
      "tpu.region"() ({
        %run_scoped3A = tpu.sem_alloc : memref<!tpu.dma_semaphore, #tpu.memory_space<semaphore_mem>>
        %dma_start3A_27 = tpu.memref_slice %arg3[%mul3A_16] : memref<320000xi32, #tpu.memory_space<hbm>> -> memref<128xi32, #tpu.memory_space<hbm>>
        %dma_start3A_28 = tpu.memref_slice %arg3[%mul3A_16] : memref<320000xi32, #tpu.memory_space<hbm>> -> memref<128xi32, #tpu.memory_space<hbm>>
        tpu.enqueue_dma source(%dma_start3A_28 : memref<128xi32, #tpu.memory_space<hbm>>) target(%arg7 : memref<128xi32, #tpu.memory_space<vmem>>) target_semaphore(%run_scoped3A : memref<!tpu.dma_semaphore, #tpu.memory_space<semaphore_mem>>)
        %dma_wait3A_29 = tpu.memref_slice %arg3[%mul3A_16] : memref<320000xi32, #tpu.memory_space<hbm>> -> memref<128xi32, #tpu.memory_space<hbm>>
        %dma_wait3A_30 = tpu.memref_slice %arg3[%mul3A_16] : memref<320000xi32, #tpu.memory_space<hbm>> -> memref<128xi32, #tpu.memory_space<hbm>>
        tpu.wait_dma2 semaphore(%run_scoped3A : memref<!tpu.dma_semaphore, #tpu.memory_space<semaphore_mem>>) src(%dma_wait3A_30 : memref<128xi32, #tpu.memory_space<hbm>>) dst(%arg7 : memref<128xi32, #tpu.memory_space<vmem>>)
        tpu.yield
      }) : () -> ()
      "tpu.region"() ({
        %run_scoped3A = tpu.sem_alloc : memref<!tpu.dma_semaphore, #tpu.memory_space<semaphore_mem>>
        %dma_start3A_27 = tpu.memref_slice %arg4[%mul3A_16] : memref<320000xi32, #tpu.memory_space<hbm>> -> memref<128xi32, #tpu.memory_space<hbm>>
        %dma_start3A_28 = tpu.memref_slice %arg4[%mul3A_16] : memref<320000xi32, #tpu.memory_space<hbm>> -> memref<128xi32, #tpu.memory_space<hbm>>
        tpu.enqueue_dma source(%dma_start3A_28 : memref<128xi32, #tpu.memory_space<hbm>>) target(%arg8 : memref<128xi32, #tpu.memory_space<vmem>>) target_semaphore(%run_scoped3A : memref<!tpu.dma_semaphore, #tpu.memory_space<semaphore_mem>>)
        %dma_wait3A_29 = tpu.memref_slice %arg4[%mul3A_16] : memref<320000xi32, #tpu.memory_space<hbm>> -> memref<128xi32, #tpu.memory_space<hbm>>
        %dma_wait3A_30 = tpu.memref_slice %arg4[%mul3A_16] : memref<320000xi32, #tpu.memory_space<hbm>> -> memref<128xi32, #tpu.memory_space<hbm>>
        tpu.wait_dma2 semaphore(%run_scoped3A : memref<!tpu.dma_semaphore, #tpu.memory_space<semaphore_mem>>) src(%dma_wait3A_30 : memref<128xi32, #tpu.memory_space<hbm>>) dst(%arg8 : memref<128xi32, #tpu.memory_space<vmem>>)
        tpu.yield
      }) : () -> ()
      %dma_start3A = arith.constant 0 : i32
      %dma_start3A_17 = arith.constant 0 : i32
      %dma_start3A_18 = tpu.memref_slice %arg2[%dma_start3A, %dma_start3A_17] : memref<10000x128xf32, #tpu.memory_space<hbm>> -> memref<10000x128xf32, #tpu.memory_space<hbm>>
      tpu.enqueue_indirect_dma source(%dma_start3A_18 : memref<10000x128xf32, #tpu.memory_space<hbm>>) target(%arg9 : memref<128x128xf32, #tpu.memory_space<vmem>>) offsets(%arg7 : memref<128xi32, #tpu.memory_space<vmem>>) semaphore(%arg11 : memref<!tpu.dma_semaphore, #tpu.memory_space<semaphore_mem>>)
      %dma_start3A_19 = arith.constant 0 : i32
      %dma_start3A_20 = arith.constant 0 : i32
      %dma_start3A_21 = tpu.memref_slice %arg2[%dma_start3A_19, %dma_start3A_20] : memref<10000x128xf32, #tpu.memory_space<hbm>> -> memref<10000x128xf32, #tpu.memory_space<hbm>>
      tpu.enqueue_indirect_dma source(%dma_start3A_21 : memref<10000x128xf32, #tpu.memory_space<hbm>>) target(%arg10 : memref<128x128xf32, #tpu.memory_space<vmem>>) offsets(%arg8 : memref<128xi32, #tpu.memory_space<vmem>>) semaphore(%arg12 : memref<!tpu.dma_semaphore, #tpu.memory_space<semaphore_mem>>)
      %dma_wait3A = arith.constant 0 : i32
      %dma_wait3A_22 = arith.constant 0 : i32
      %dma_wait3A_23 = tpu.memref_slice %arg2[%dma_wait3A, %dma_wait3A_22] : memref<10000x128xf32, #tpu.memory_space<hbm>> -> memref<10000x128xf32, #tpu.memory_space<hbm>>
      tpu.wait_indirect_dma semaphore(%arg11 : memref<!tpu.dma_semaphore, #tpu.memory_space<semaphore_mem>>) src(%dma_wait3A_23 : memref<10000x128xf32, #tpu.memory_space<hbm>>) dst(%arg9 : memref<128x128xf32, #tpu.memory_space<vmem>>)
      %dma_wait3A_24 = arith.constant 0 : i32
      %dma_wait3A_25 = arith.constant 0 : i32
      %dma_wait3A_26 = tpu.memref_slice %arg2[%dma_wait3A_24, %dma_wait3A_25] : memref<10000x128xf32, #tpu.memory_space<hbm>> -> memref<10000x128xf32, #tpu.memory_space<hbm>>
      tpu.wait_indirect_dma semaphore(%arg12 : memref<!tpu.dma_semaphore, #tpu.memory_space<semaphore_mem>>) src(%dma_wait3A_26 : memref<10000x128xf32, #tpu.memory_space<hbm>>) dst(%arg10 : memref<128x128xf32, #tpu.memory_space<vmem>>)
      "tpu.region"() ({
        %run_scoped3A = tpu.sem_alloc : memref<!tpu.dma_semaphore, #tpu.memory_space<semaphore_mem>>
        %dma_start3A_27 = arith.constant 0 : i32
        %dma_start3A_28 = tpu.memref_slice %arg5[%mul3A_16, %dma_start3A_27] : memref<320000x128xf32, #tpu.memory_space<hbm>> -> memref<128x128xf32, #tpu.memory_space<hbm>>
        %dma_start3A_29 = arith.constant 0 : i32
        %dma_start3A_30 = tpu.memref_slice %arg5[%mul3A_16, %dma_start3A_29] : memref<320000x128xf32, #tpu.memory_space<hbm>> -> memref<128x128xf32, #tpu.memory_space<hbm>>
        tpu.enqueue_dma source(%arg9 : memref<128x128xf32, #tpu.memory_space<vmem>>) target(%dma_start3A_30 : memref<128x128xf32, #tpu.memory_space<hbm>>) target_semaphore(%run_scoped3A : memref<!tpu.dma_semaphore, #tpu.memory_space<semaphore_mem>>)
        %dma_wait3A_31 = arith.constant 0 : i32
        %dma_wait3A_32 = tpu.memref_slice %arg5[%mul3A_16, %dma_wait3A_31] : memref<320000x128xf32, #tpu.memory_space<hbm>> -> memref<128x128xf32, #tpu.memory_space<hbm>>
        %dma_wait3A_33 = arith.constant 0 : i32
        %dma_wait3A_34 = tpu.memref_slice %arg5[%mul3A_16, %dma_wait3A_33] : memref<320000x128xf32, #tpu.memory_space<hbm>> -> memref<128x128xf32, #tpu.memory_space<hbm>>
        tpu.wait_dma2 semaphore(%run_scoped3A : memref<!tpu.dma_semaphore, #tpu.memory_space<semaphore_mem>>) src(%arg9 : memref<128x128xf32, #tpu.memory_space<vmem>>) dst(%dma_wait3A_34 : memref<128x128xf32, #tpu.memory_space<hbm>>)
        tpu.yield
      }) : () -> ()
      "tpu.region"() ({
        %run_scoped3A = tpu.sem_alloc : memref<!tpu.dma_semaphore, #tpu.memory_space<semaphore_mem>>
        %dma_start3A_27 = arith.constant 0 : i32
        %dma_start3A_28 = tpu.memref_slice %arg6[%mul3A_16, %dma_start3A_27] : memref<320000x128xf32, #tpu.memory_space<hbm>> -> memref<128x128xf32, #tpu.memory_space<hbm>>
        %dma_start3A_29 = arith.constant 0 : i32
        %dma_start3A_30 = tpu.memref_slice %arg6[%mul3A_16, %dma_start3A_29] : memref<320000x128xf32, #tpu.memory_space<hbm>> -> memref<128x128xf32, #tpu.memory_space<hbm>>
        tpu.enqueue_dma source(%arg10 : memref<128x128xf32, #tpu.memory_space<vmem>>) target(%dma_start3A_30 : memref<128x128xf32, #tpu.memory_space<hbm>>) target_semaphore(%run_scoped3A : memref<!tpu.dma_semaphore, #tpu.memory_space<semaphore_mem>>)
        %dma_wait3A_31 = arith.constant 0 : i32
        %dma_wait3A_32 = tpu.memref_slice %arg6[%mul3A_16, %dma_wait3A_31] : memref<320000x128xf32, #tpu.memory_space<hbm>> -> memref<128x128xf32, #tpu.memory_space<hbm>>
        %dma_wait3A_33 = arith.constant 0 : i32
        %dma_wait3A_34 = tpu.memref_slice %arg6[%mul3A_16, %dma_wait3A_33] : memref<320000x128xf32, #tpu.memory_space<hbm>> -> memref<128x128xf32, #tpu.memory_space<hbm>>
        tpu.wait_dma2 semaphore(%run_scoped3A : memref<!tpu.dma_semaphore, #tpu.memory_space<semaphore_mem>>) src(%arg10 : memref<128x128xf32, #tpu.memory_space<vmem>>) dst(%dma_wait3A_34 : memref<128x128xf32, #tpu.memory_space<hbm>>)
        tpu.yield
      }) : () -> ()
    }
    %scan3A_4 = arith.constant 78 : i32
    %lt3A = arith.constant 4 : i32
    %lt3A_5 = arith.cmpi slt, %add3A, %lt3A : i32
    %convert_element_type3A = arith.extui %lt3A_5 : i1 to i32
    %cond3A = arith.constant 0 : i32
    %cond3A_6 = arith.cmpi ne, %convert_element_type3A, %cond3A : i32
    scf.if %cond3A_6 {
      %add3A_7 = arith.constant 2496 : i32
      %add3A_8 = arith.addi %add3A_7, %add3A : i32
      %mul3A_9 = arith.constant 128 : i32
      %mul3A_10 = arith.muli %add3A_8, %mul3A_9 : i32
      "tpu.region"() ({
        %run_scoped3A = tpu.sem_alloc : memref<!tpu.dma_semaphore, #tpu.memory_space<semaphore_mem>>
        %dma_start3A_21 = tpu.memref_slice %arg3[%mul3A_10] : memref<320000xi32, #tpu.memory_space<hbm>> -> memref<128xi32, #tpu.memory_space<hbm>>
        %dma_start3A_22 = tpu.memref_slice %arg3[%mul3A_10] : memref<320000xi32, #tpu.memory_space<hbm>> -> memref<128xi32, #tpu.memory_space<hbm>>
        tpu.enqueue_dma source(%dma_start3A_22 : memref<128xi32, #tpu.memory_space<hbm>>) target(%arg7 : memref<128xi32, #tpu.memory_space<vmem>>) target_semaphore(%run_scoped3A : memref<!tpu.dma_semaphore, #tpu.memory_space<semaphore_mem>>)
        %dma_wait3A_23 = tpu.memref_slice %arg3[%mul3A_10] : memref<320000xi32, #tpu.memory_space<hbm>> -> memref<128xi32, #tpu.memory_space<hbm>>
        %dma_wait3A_24 = tpu.memref_slice %arg3[%mul3A_10] : memref<320000xi32, #tpu.memory_space<hbm>> -> memref<128xi32, #tpu.memory_space<hbm>>
        tpu.wait_dma2 semaphore(%run_scoped3A : memref<!tpu.dma_semaphore, #tpu.memory_space<semaphore_mem>>) src(%dma_wait3A_24 : memref<128xi32, #tpu.memory_space<hbm>>) dst(%arg7 : memref<128xi32, #tpu.memory_space<vmem>>)
        tpu.yield
      }) : () -> ()
      "tpu.region"() ({
        %run_scoped3A = tpu.sem_alloc : memref<!tpu.dma_semaphore, #tpu.memory_space<semaphore_mem>>
        %dma_start3A_21 = tpu.memref_slice %arg4[%mul3A_10] : memref<320000xi32, #tpu.memory_space<hbm>> -> memref<128xi32, #tpu.memory_space<hbm>>
        %dma_start3A_22 = tpu.memref_slice %arg4[%mul3A_10] : memref<320000xi32, #tpu.memory_space<hbm>> -> memref<128xi32, #tpu.memory_space<hbm>>
        tpu.enqueue_dma source(%dma_start3A_22 : memref<128xi32, #tpu.memory_space<hbm>>) target(%arg8 : memref<128xi32, #tpu.memory_space<vmem>>) target_semaphore(%run_scoped3A : memref<!tpu.dma_semaphore, #tpu.memory_space<semaphore_mem>>)
        %dma_wait3A_23 = tpu.memref_slice %arg4[%mul3A_10] : memref<320000xi32, #tpu.memory_space<hbm>> -> memref<128xi32, #tpu.memory_space<hbm>>
        %dma_wait3A_24 = tpu.memref_slice %arg4[%mul3A_10] : memref<320000xi32, #tpu.memory_space<hbm>> -> memref<128xi32, #tpu.memory_space<hbm>>
        tpu.wait_dma2 semaphore(%run_scoped3A : memref<!tpu.dma_semaphore, #tpu.memory_space<semaphore_mem>>) src(%dma_wait3A_24 : memref<128xi32, #tpu.memory_space<hbm>>) dst(%arg8 : memref<128xi32, #tpu.memory_space<vmem>>)
        tpu.yield
      }) : () -> ()
      %dma_start3A = arith.constant 0 : i32
      %dma_start3A_11 = arith.constant 0 : i32
      %dma_start3A_12 = tpu.memref_slice %arg2[%dma_start3A, %dma_start3A_11] : memref<10000x128xf32, #tpu.memory_space<hbm>> -> memref<10000x128xf32, #tpu.memory_space<hbm>>
      tpu.enqueue_indirect_dma source(%dma_start3A_12 : memref<10000x128xf32, #tpu.memory_space<hbm>>) target(%arg9 : memref<128x128xf32, #tpu.memory_space<vmem>>) offsets(%arg7 : memref<128xi32, #tpu.memory_space<vmem>>) semaphore(%arg11 : memref<!tpu.dma_semaphore, #tpu.memory_space<semaphore_mem>>)
      %dma_start3A_13 = arith.constant 0 : i32
      %dma_start3A_14 = arith.constant 0 : i32
      %dma_start3A_15 = tpu.memref_slice %arg2[%dma_start3A_13, %dma_start3A_14] : memref<10000x128xf32, #tpu.memory_space<hbm>> -> memref<10000x128xf32, #tpu.memory_space<hbm>>
      tpu.enqueue_indirect_dma source(%dma_start3A_15 : memref<10000x128xf32, #tpu.memory_space<hbm>>) target(%arg10 : memref<128x128xf32, #tpu.memory_space<vmem>>) offsets(%arg8 : memref<128xi32, #tpu.memory_space<vmem>>) semaphore(%arg12 : memref<!tpu.dma_semaphore, #tpu.memory_space<semaphore_mem>>)
      %dma_wait3A = arith.constant 0 : i32
      %dma_wait3A_16 = arith.constant 0 : i32
      %dma_wait3A_17 = tpu.memref_slice %arg2[%dma_wait3A, %dma_wait3A_16] : memref<10000x128xf32, #tpu.memory_space<hbm>> -> memref<10000x128xf32, #tpu.memory_space<hbm>>
      tpu.wait_indirect_dma semaphore(%arg11 : memref<!tpu.dma_semaphore, #tpu.memory_space<semaphore_mem>>) src(%dma_wait3A_17 : memref<10000x128xf32, #tpu.memory_space<hbm>>) dst(%arg9 : memref<128x128xf32, #tpu.memory_space<vmem>>)
      %dma_wait3A_18 = arith.constant 0 : i32
      %dma_wait3A_19 = arith.constant 0 : i32
      %dma_wait3A_20 = tpu.memref_slice %arg2[%dma_wait3A_18, %dma_wait3A_19] : memref<10000x128xf32, #tpu.memory_space<hbm>> -> memref<10000x128xf32, #tpu.memory_space<hbm>>
      tpu.wait_indirect_dma semaphore(%arg12 : memref<!tpu.dma_semaphore, #tpu.memory_space<semaphore_mem>>) src(%dma_wait3A_20 : memref<10000x128xf32, #tpu.memory_space<hbm>>) dst(%arg10 : memref<128x128xf32, #tpu.memory_space<vmem>>)
      "tpu.region"() ({
        %run_scoped3A = tpu.sem_alloc : memref<!tpu.dma_semaphore, #tpu.memory_space<semaphore_mem>>
        %dma_start3A_21 = arith.constant 0 : i32
        %dma_start3A_22 = tpu.memref_slice %arg5[%mul3A_10, %dma_start3A_21] : memref<320000x128xf32, #tpu.memory_space<hbm>> -> memref<128x128xf32, #tpu.memory_space<hbm>>
        %dma_start3A_23 = arith.constant 0 : i32
        %dma_start3A_24 = tpu.memref_slice %arg5[%mul3A_10, %dma_start3A_23] : memref<320000x128xf32, #tpu.memory_space<hbm>> -> memref<128x128xf32, #tpu.memory_space<hbm>>
        tpu.enqueue_dma source(%arg9 : memref<128x128xf32, #tpu.memory_space<vmem>>) target(%dma_start3A_24 : memref<128x128xf32, #tpu.memory_space<hbm>>) target_semaphore(%run_scoped3A : memref<!tpu.dma_semaphore, #tpu.memory_space<semaphore_mem>>)
        %dma_wait3A_25 = arith.constant 0 : i32
        %dma_wait3A_26 = tpu.memref_slice %arg5[%mul3A_10, %dma_wait3A_25] : memref<320000x128xf32, #tpu.memory_space<hbm>> -> memref<128x128xf32, #tpu.memory_space<hbm>>
        %dma_wait3A_27 = arith.constant 0 : i32
        %dma_wait3A_28 = tpu.memref_slice %arg5[%mul3A_10, %dma_wait3A_27] : memref<320000x128xf32, #tpu.memory_space<hbm>> -> memref<128x128xf32, #tpu.memory_space<hbm>>
        tpu.wait_dma2 semaphore(%run_scoped3A : memref<!tpu.dma_semaphore, #tpu.memory_space<semaphore_mem>>) src(%arg9 : memref<128x128xf32, #tpu.memory_space<vmem>>) dst(%dma_wait3A_28 : memref<128x128xf32, #tpu.memory_space<hbm>>)
        tpu.yield
      }) : () -> ()
      "tpu.region"() ({
        %run_scoped3A = tpu.sem_alloc : memref<!tpu.dma_semaphore, #tpu.memory_space<semaphore_mem>>
        %dma_start3A_21 = arith.constant 0 : i32
        %dma_start3A_22 = tpu.memref_slice %arg6[%mul3A_10, %dma_start3A_21] : memref<320000x128xf32, #tpu.memory_space<hbm>> -> memref<128x128xf32, #tpu.memory_space<hbm>>
        %dma_start3A_23 = arith.constant 0 : i32
        %dma_start3A_24 = tpu.memref_slice %arg6[%mul3A_10, %dma_start3A_23] : memref<320000x128xf32, #tpu.memory_space<hbm>> -> memref<128x128xf32, #tpu.memory_space<hbm>>
        tpu.enqueue_dma source(%arg10 : memref<128x128xf32, #tpu.memory_space<vmem>>) target(%dma_start3A_24 : memref<128x128xf32, #tpu.memory_space<hbm>>) target_semaphore(%run_scoped3A : memref<!tpu.dma_semaphore, #tpu.memory_space<semaphore_mem>>)
        %dma_wait3A_25 = arith.constant 0 : i32
        %dma_wait3A_26 = tpu.memref_slice %arg6[%mul3A_10, %dma_wait3A_25] : memref<320000x128xf32, #tpu.memory_space<hbm>> -> memref<128x128xf32, #tpu.memory_space<hbm>>
        %dma_wait3A_27 = arith.constant 0 : i32
        %dma_wait3A_28 = tpu.memref_slice %arg6[%mul3A_10, %dma_wait3A_27] : memref<320000x128xf32, #tpu.memory_space<hbm>> -> memref<128x128xf32, #tpu.memory_space<hbm>>
        tpu.wait_dma2 semaphore(%run_scoped3A : memref<!tpu.dma_semaphore, #tpu.memory_space<semaphore_mem>>) src(%arg10 : memref<128x128xf32, #tpu.memory_space<vmem>>) dst(%dma_wait3A_28 : memref<128x128xf32, #tpu.memory_space<hbm>>)
        tpu.yield
      }) : () -> ()
    } else {
    }
    return
  }
}

module attributes {stable_mosaic.version = 14 : i64} {
  func.func @body(%arg0: i32, %arg1: memref<2000x128xf32, #tpu.memory_space<vmem>>, %arg2: memref<2000x128xf32, #tpu.memory_space<vmem>>, %arg3: memref<2000x16xf32, #tpu.memory_space<vmem>>, %arg4: memref<128x272xf32, #tpu.memory_space<vmem>>, %arg5: memref<128x272xf32, #tpu.memory_space<vmem>>, %arg6: memref<16x272xf32, #tpu.memory_space<vmem>>, %arg7: memref<1x272xf32, #tpu.memory_space<vmem>>, %arg8: memref<272x128xf32, #tpu.memory_space<vmem>>, %arg9: memref<1x128xf32, #tpu.memory_space<vmem>>, %arg10: memref<2000x128xf32, #tpu.memory_space<vmem>>) attributes {dimension_semantics = [#tpu.dimension_semantics<arbitrary>], iteration_bounds = array<i64: 160>, scalar_prefetch = 0 : i64, scratch_operands = 0 : i64, tpu.core_type = #tpu.core_type<tc>, window_params = [{transform_indices = @transform_0, window_bounds = array<i64: 2000, 128>}, {transform_indices = @transform_1, window_bounds = array<i64: 2000, 128>}, {transform_indices = @transform_2, window_bounds = array<i64: 2000, 16>}, {pipeline_mode = #tpu.pipeline_mode<synchronous>, transform_indices = @transform_3, window_bounds = array<i64: 128, 272>}, {pipeline_mode = #tpu.pipeline_mode<synchronous>, transform_indices = @transform_4, window_bounds = array<i64: 128, 272>}, {pipeline_mode = #tpu.pipeline_mode<synchronous>, transform_indices = @transform_5, window_bounds = array<i64: 16, 272>}, {pipeline_mode = #tpu.pipeline_mode<synchronous>, transform_indices = @transform_6, window_bounds = array<i64: 1, 272>}, {pipeline_mode = #tpu.pipeline_mode<synchronous>, transform_indices = @transform_7, window_bounds = array<i64: 272, 128>}, {pipeline_mode = #tpu.pipeline_mode<synchronous>, transform_indices = @transform_8, window_bounds = array<i64: 1, 128>}, {transform_indices = @transform_9, window_bounds = array<i64: 2000, 128>}]} {
    %get3A = arith.constant 0 : index
    %get3A_0 = arith.constant 0 : index
    %get3A_1 = vector.load %arg1[%get3A, %get3A_0] : memref<2000x128xf32, #tpu.memory_space<vmem>>, vector<2000x128xf32>
    %get3A_2 = arith.constant 0 : index
    %get3A_3 = arith.constant 0 : index
    %get3A_4 = vector.load %arg4[%get3A_2, %get3A_3] : memref<128x272xf32, #tpu.memory_space<vmem>>, vector<128x272xf32>
    %dot_general3A = arith.constant dense<0.000000e+00> : vector<2000x272xf32>
    %dot_general3A_5 = tpu.matmul %get3A_1, %get3A_4, %dot_general3A {dimension_numbers = #tpu.dot_dimension_numbers<[1], [0], [0], [1], [0, 0, 1, 1], [], []>, transpose_lhs_hint = false} : vector<2000x128xf32>, vector<128x272xf32>, vector<2000x272xf32> -> vector<2000x272xf32>
    %get3A_6 = arith.constant 0 : index
    %get3A_7 = arith.constant 0 : index
    %get3A_8 = vector.load %arg2[%get3A_6, %get3A_7] : memref<2000x128xf32, #tpu.memory_space<vmem>>, vector<2000x128xf32>
    %get3A_9 = arith.constant 0 : index
    %get3A_10 = arith.constant 0 : index
    %get3A_11 = vector.load %arg5[%get3A_9, %get3A_10] : memref<128x272xf32, #tpu.memory_space<vmem>>, vector<128x272xf32>
    %dot_general3A_12 = arith.constant dense<0.000000e+00> : vector<2000x272xf32>
    %dot_general3A_13 = tpu.matmul %get3A_8, %get3A_11, %dot_general3A_12 {dimension_numbers = #tpu.dot_dimension_numbers<[1], [0], [0], [1], [0, 0, 1, 1], [], []>, transpose_lhs_hint = false} : vector<2000x128xf32>, vector<128x272xf32>, vector<2000x272xf32> -> vector<2000x272xf32>
    %add3A = arith.addf %dot_general3A_5, %dot_general3A_13 : vector<2000x272xf32>
    %get3A_14 = arith.constant 0 : index
    %get3A_15 = arith.constant 0 : index
    %get3A_16 = vector.load %arg3[%get3A_14, %get3A_15] : memref<2000x16xf32, #tpu.memory_space<vmem>>, vector<2000x16xf32>
    %get3A_17 = arith.constant 0 : index
    %get3A_18 = arith.constant 0 : index
    %get3A_19 = vector.load %arg6[%get3A_17, %get3A_18] : memref<16x272xf32, #tpu.memory_space<vmem>>, vector<16x272xf32>
    %dot_general3A_20 = arith.constant dense<0.000000e+00> : vector<2000x272xf32>
    %dot_general3A_21 = tpu.matmul %get3A_16, %get3A_19, %dot_general3A_20 {dimension_numbers = #tpu.dot_dimension_numbers<[1], [0], [0], [1], [0, 0, 1, 1], [], []>, transpose_lhs_hint = false} : vector<2000x16xf32>, vector<16x272xf32>, vector<2000x272xf32> -> vector<2000x272xf32>
    %add3A_22 = arith.addf %add3A, %dot_general3A_21 : vector<2000x272xf32>
    %get3A_23 = arith.constant 0 : index
    %get3A_24 = arith.constant 0 : index
    %get3A_25 = vector.load %arg7[%get3A_23, %get3A_24] : memref<1x272xf32, #tpu.memory_space<vmem>>, vector<1x272xf32>
    %add3A_26 = vector.broadcast %get3A_25 : vector<1x272xf32> to vector<2000x272xf32>
    %add3A_27 = arith.addf %add3A_22, %add3A_26 : vector<2000x272xf32>
    %integer_pow3A = arith.mulf %add3A_27, %add3A_27 : vector<2000x272xf32>
    %integer_pow3A_28 = arith.mulf %add3A_27, %integer_pow3A : vector<2000x272xf32>
    %mul3A = arith.constant 4.471500e-02 : f32
    %mul3A_29 = vector.broadcast %mul3A : f32 to vector<2000x272xf32>
    %mul3A_30 = arith.mulf %mul3A_29, %integer_pow3A_28 : vector<2000x272xf32>
    %add3A_31 = arith.addf %add3A_27, %mul3A_30 : vector<2000x272xf32>
    %mul3A_32 = arith.constant 0.797884583 : f32
    %mul3A_33 = vector.broadcast %mul3A_32 : f32 to vector<2000x272xf32>
    %mul3A_34 = arith.mulf %mul3A_33, %add3A_31 : vector<2000x272xf32>
    %tanh3A = math.tanh %mul3A_34 : vector<2000x272xf32>
    %add3A_35 = arith.constant 1.000000e+00 : f32
    %add3A_36 = vector.broadcast %add3A_35 : f32 to vector<2000x272xf32>
    %add3A_37 = arith.addf %add3A_36, %tanh3A : vector<2000x272xf32>
    %mul3A_38 = arith.constant 5.000000e-01 : f32
    %mul3A_39 = vector.broadcast %mul3A_38 : f32 to vector<2000x272xf32>
    %mul3A_40 = arith.mulf %mul3A_39, %add3A_37 : vector<2000x272xf32>
    %mul3A_41 = arith.mulf %add3A_27, %mul3A_40 : vector<2000x272xf32>
    %get3A_42 = arith.constant 0 : index
    %get3A_43 = arith.constant 0 : index
    %get3A_44 = vector.load %arg8[%get3A_42, %get3A_43] : memref<272x128xf32, #tpu.memory_space<vmem>>, vector<272x128xf32>
    %dot_general3A_45 = arith.constant dense<0.000000e+00> : vector<2000x128xf32>
    %dot_general3A_46 = tpu.matmul %mul3A_41, %get3A_44, %dot_general3A_45 {dimension_numbers = #tpu.dot_dimension_numbers<[1], [0], [0], [1], [0, 0, 1, 1], [], []>, transpose_lhs_hint = false} : vector<2000x272xf32>, vector<272x128xf32>, vector<2000x128xf32> -> vector<2000x128xf32>
    %get3A_47 = arith.constant 0 : index
    %get3A_48 = arith.constant 0 : index
    %get3A_49 = vector.load %arg9[%get3A_47, %get3A_48] : memref<1x128xf32, #tpu.memory_space<vmem>>, vector<1x128xf32>
    %add3A_50 = vector.broadcast %get3A_49 : vector<1x128xf32> to vector<2000x128xf32>
    %add3A_51 = arith.addf %dot_general3A_46, %add3A_50 : vector<2000x128xf32>
    %swap3A = arith.constant 0 : index
    %swap3A_52 = arith.constant 0 : index
    %swap3A_53 = vector.load %arg10[%swap3A, %swap3A_52] : memref<2000x128xf32, #tpu.memory_space<vmem>>, vector<2000x128xf32>
    tpu.vector_store %arg10[%swap3A, %swap3A_52], %add3A_51 {strides = array<i32>} : memref<2000x128xf32, #tpu.memory_space<vmem>>, vector<2000x128xf32>,
    return
  }
  func.func @transform_0(%arg0: i32) -> (i32, i32) {
    %c0_i32 = arith.constant 0 : i32
    %c0_i32_0 = arith.constant 0 : i32
    return %arg0, %c0_i32 : i32, i32
  }
  func.func @transform_1(%arg0: i32) -> (i32, i32) {
    %c0_i32 = arith.constant 0 : i32
    %c0_i32_0 = arith.constant 0 : i32
    return %arg0, %c0_i32 : i32, i32
  }
  func.func @transform_2(%arg0: i32) -> (i32, i32) {
    %c0_i32 = arith.constant 0 : i32
    %c0_i32_0 = arith.constant 0 : i32
    return %arg0, %c0_i32 : i32, i32
  }
  func.func @transform_3(%arg0: i32) -> (i32, i32) {
    %c0_i32 = arith.constant 0 : i32
    %c0_i32_0 = arith.constant 0 : i32
    %c0_i32_1 = arith.constant 0 : i32
    return %c0_i32, %c0_i32_0 : i32, i32
  }
  func.func @transform_4(%arg0: i32) -> (i32, i32) {
    %c0_i32 = arith.constant 0 : i32
    %c0_i32_0 = arith.constant 0 : i32
    %c0_i32_1 = arith.constant 0 : i32
    return %c0_i32, %c0_i32_0 : i32, i32
  }
  func.func @transform_5(%arg0: i32) -> (i32, i32) {
    %c0_i32 = arith.constant 0 : i32
    %c0_i32_0 = arith.constant 0 : i32
    %c0_i32_1 = arith.constant 0 : i32
    return %c0_i32, %c0_i32_0 : i32, i32
  }
  func.func @transform_6(%arg0: i32) -> (i32, i32) {
    %c0_i32 = arith.constant 0 : i32
    %c0_i32_0 = arith.constant 0 : i32
    %c0_i32_1 = arith.constant 0 : i32
    return %c0_i32, %c0_i32_0 : i32, i32
  }
  func.func @transform_7(%arg0: i32) -> (i32, i32) {
    %c0_i32 = arith.constant 0 : i32
    %c0_i32_0 = arith.constant 0 : i32
    %c0_i32_1 = arith.constant 0 : i32
    return %c0_i32, %c0_i32_0 : i32, i32
  }
  func.func @transform_8(%arg0: i32) -> (i32, i32) {
    %c0_i32 = arith.constant 0 : i32
    %c0_i32_0 = arith.constant 0 : i32
    %c0_i32_1 = arith.constant 0 : i32
    return %c0_i32, %c0_i32_0 : i32, i32
  }
  func.func @transform_9(%arg0: i32) -> (i32, i32) {
    %c0_i32 = arith.constant 0 : i32
    %c0_i32_0 = arith.constant 0 : i32
    return %arg0, %c0_i32 : i32, i32
  }
}

module attributes {stable_mosaic.version = 14 : i64} {
  func.func @body(%arg0: i32, %arg1: memref<2000x128xf32, #tpu.memory_space<vmem>>, %arg2: memref<2000x128xf32, #tpu.memory_space<vmem>>, %arg3: memref<128x218xf32, #tpu.memory_space<vmem>>, %arg4: memref<128x218xf32, #tpu.memory_space<vmem>>, %arg5: memref<1x218xf32, #tpu.memory_space<vmem>>, %arg6: memref<218x109xf32, #tpu.memory_space<vmem>>, %arg7: memref<1x109xf32, #tpu.memory_space<vmem>>, %arg8: memref<2000x109xf32, #tpu.memory_space<vmem>>) attributes {dimension_semantics = [#tpu.dimension_semantics<arbitrary>], iteration_bounds = array<i64: 5>, scalar_prefetch = 0 : i64, scratch_operands = 0 : i64, tpu.core_type = #tpu.core_type<tc>, window_params = [{transform_indices = @transform_0, window_bounds = array<i64: 2000, 128>}, {transform_indices = @transform_1, window_bounds = array<i64: 2000, 128>}, {pipeline_mode = #tpu.pipeline_mode<synchronous>, transform_indices = @transform_2, window_bounds = array<i64: 128, 218>}, {pipeline_mode = #tpu.pipeline_mode<synchronous>, transform_indices = @transform_3, window_bounds = array<i64: 128, 218>}, {pipeline_mode = #tpu.pipeline_mode<synchronous>, transform_indices = @transform_4, window_bounds = array<i64: 1, 218>}, {pipeline_mode = #tpu.pipeline_mode<synchronous>, transform_indices = @transform_5, window_bounds = array<i64: 218, 109>}, {pipeline_mode = #tpu.pipeline_mode<synchronous>, transform_indices = @transform_6, window_bounds = array<i64: 1, 109>}, {transform_indices = @transform_7, window_bounds = array<i64: 2000, 109>}]} {
    %get3A = arith.constant 0 : index
    %get3A_0 = arith.constant 0 : index
    %get3A_1 = vector.load %arg1[%get3A, %get3A_0] : memref<2000x128xf32, #tpu.memory_space<vmem>>, vector<2000x128xf32>
    %mul3A = arith.constant 0.176776692 : f32
    %mul3A_2 = vector.broadcast %mul3A : f32 to vector<2000x128xf32>
    %mul3A_3 = arith.mulf %get3A_1, %mul3A_2 : vector<2000x128xf32>
    %get3A_4 = arith.constant 0 : index
    %get3A_5 = arith.constant 0 : index
    %get3A_6 = vector.load %arg3[%get3A_4, %get3A_5] : memref<128x218xf32, #tpu.memory_space<vmem>>, vector<128x218xf32>
    %dot_general3A = arith.constant dense<0.000000e+00> : vector<2000x218xf32>
    %dot_general3A_7 = tpu.matmul %mul3A_3, %get3A_6, %dot_general3A {dimension_numbers = #tpu.dot_dimension_numbers<[1], [0], [0], [1], [0, 0, 1, 1], [], []>, transpose_lhs_hint = false} : vector<2000x128xf32>, vector<128x218xf32>, vector<2000x218xf32> -> vector<2000x218xf32>
    %get3A_8 = arith.constant 0 : index
    %get3A_9 = arith.constant 0 : index
    %get3A_10 = vector.load %arg2[%get3A_8, %get3A_9] : memref<2000x128xf32, #tpu.memory_space<vmem>>, vector<2000x128xf32>
    %get3A_11 = arith.constant 0 : index
    %get3A_12 = arith.constant 0 : index
    %get3A_13 = vector.load %arg4[%get3A_11, %get3A_12] : memref<128x218xf32, #tpu.memory_space<vmem>>, vector<128x218xf32>
    %dot_general3A_14 = arith.constant dense<0.000000e+00> : vector<2000x218xf32>
    %dot_general3A_15 = tpu.matmul %get3A_10, %get3A_13, %dot_general3A_14 {dimension_numbers = #tpu.dot_dimension_numbers<[1], [0], [0], [1], [0, 0, 1, 1], [], []>, transpose_lhs_hint = false} : vector<2000x128xf32>, vector<128x218xf32>, vector<2000x218xf32> -> vector<2000x218xf32>
    %add3A = arith.addf %dot_general3A_7, %dot_general3A_15 : vector<2000x218xf32>
    %get3A_16 = arith.constant 0 : index
    %get3A_17 = arith.constant 0 : index
    %get3A_18 = vector.load %arg5[%get3A_16, %get3A_17] : memref<1x218xf32, #tpu.memory_space<vmem>>, vector<1x218xf32>
    %add3A_19 = vector.broadcast %get3A_18 : vector<1x218xf32> to vector<2000x218xf32>
    %add3A_20 = arith.addf %add3A, %add3A_19 : vector<2000x218xf32>
    %integer_pow3A = arith.mulf %add3A_20, %add3A_20 : vector<2000x218xf32>
    %integer_pow3A_21 = arith.mulf %add3A_20, %integer_pow3A : vector<2000x218xf32>
    %mul3A_22 = arith.constant 4.471500e-02 : f32
    %mul3A_23 = vector.broadcast %mul3A_22 : f32 to vector<2000x218xf32>
    %mul3A_24 = arith.mulf %mul3A_23, %integer_pow3A_21 : vector<2000x218xf32>
    %add3A_25 = arith.addf %add3A_20, %mul3A_24 : vector<2000x218xf32>
    %mul3A_26 = arith.constant 0.797884583 : f32
    %mul3A_27 = vector.broadcast %mul3A_26 : f32 to vector<2000x218xf32>
    %mul3A_28 = arith.mulf %mul3A_27, %add3A_25 : vector<2000x218xf32>
    %tanh3A = math.tanh %mul3A_28 : vector<2000x218xf32>
    %add3A_29 = arith.constant 1.000000e+00 : f32
    %add3A_30 = vector.broadcast %add3A_29 : f32 to vector<2000x218xf32>
    %add3A_31 = arith.addf %add3A_30, %tanh3A : vector<2000x218xf32>
    %mul3A_32 = arith.constant 5.000000e-01 : f32
    %mul3A_33 = vector.broadcast %mul3A_32 : f32 to vector<2000x218xf32>
    %mul3A_34 = arith.mulf %mul3A_33, %add3A_31 : vector<2000x218xf32>
    %mul3A_35 = arith.mulf %add3A_20, %mul3A_34 : vector<2000x218xf32>
    %get3A_36 = arith.constant 0 : index
    %get3A_37 = arith.constant 0 : index
    %get3A_38 = vector.load %arg6[%get3A_36, %get3A_37] : memref<218x109xf32, #tpu.memory_space<vmem>>, vector<218x109xf32>
    %dot_general3A_39 = arith.constant dense<0.000000e+00> : vector<2000x109xf32>
    %dot_general3A_40 = tpu.matmul %mul3A_35, %get3A_38, %dot_general3A_39 {dimension_numbers = #tpu.dot_dimension_numbers<[1], [0], [0], [1], [0, 0, 1, 1], [], []>, transpose_lhs_hint = false} : vector<2000x218xf32>, vector<218x109xf32>, vector<2000x109xf32> -> vector<2000x109xf32>
    %get3A_41 = arith.constant 0 : index
    %get3A_42 = arith.constant 0 : index
    %get3A_43 = vector.load %arg7[%get3A_41, %get3A_42] : memref<1x109xf32, #tpu.memory_space<vmem>>, vector<1x109xf32>
    %add3A_44 = vector.broadcast %get3A_43 : vector<1x109xf32> to vector<2000x109xf32>
    %add3A_45 = arith.addf %dot_general3A_40, %add3A_44 : vector<2000x109xf32>
    %swap3A = arith.constant 0 : index
    %swap3A_46 = arith.constant 0 : index
    %swap3A_47 = vector.load %arg8[%swap3A, %swap3A_46] : memref<2000x109xf32, #tpu.memory_space<vmem>>, vector<2000x109xf32>
    tpu.vector_store %arg8[%swap3A, %swap3A_46], %add3A_45 {strides = array<i32>} : memref<2000x109xf32, #tpu.memory_space<vmem>>, vector<2000x109xf32>,
    return
  }
  func.func @transform_0(%arg0: i32) -> (i32, i32) {
    %c0_i32 = arith.constant 0 : i32
    %c0_i32_0 = arith.constant 0 : i32
    return %arg0, %c0_i32 : i32, i32
  }
  func.func @transform_1(%arg0: i32) -> (i32, i32) {
    %c0_i32 = arith.constant 0 : i32
    %c0_i32_0 = arith.constant 0 : i32
    return %arg0, %c0_i32 : i32, i32
  }
  func.func @transform_2(%arg0: i32) -> (i32, i32) {
    %c0_i32 = arith.constant 0 : i32
    %c0_i32_0 = arith.constant 0 : i32
    %c0_i32_1 = arith.constant 0 : i32
    return %c0_i32, %c0_i32_0 : i32, i32
  }
  func.func @transform_3(%arg0: i32) -> (i32, i32) {
    %c0_i32 = arith.constant 0 : i32
    %c0_i32_0 = arith.constant 0 : i32
    %c0_i32_1 = arith.constant 0 : i32
    return %c0_i32, %c0_i32_0 : i32, i32
  }
  func.func @transform_4(%arg0: i32) -> (i32, i32) {
    %c0_i32 = arith.constant 0 : i32
    %c0_i32_0 = arith.constant 0 : i32
    %c0_i32_1 = arith.constant 0 : i32
    return %c0_i32, %c0_i32_0 : i32, i32
  }
  func.func @transform_5(%arg0: i32) -> (i32, i32) {
    %c0_i32 = arith.constant 0 : i32
    %c0_i32_0 = arith.constant 0 : i32
    %c0_i32_1 = arith.constant 0 : i32
    return %c0_i32, %c0_i32_0 : i32, i32
  }
  func.func @transform_6(%arg0: i32) -> (i32, i32) {
    %c0_i32 = arith.constant 0 : i32
    %c0_i32_0 = arith.constant 0 : i32
    %c0_i32_1 = arith.constant 0 : i32
    return %c0_i32, %c0_i32_0 : i32, i32
  }
  func.func @transform_7(%arg0: i32) -> (i32, i32) {
    %c0_i32 = arith.constant 0 : i32
    %c0_i32_0 = arith.constant 0 : i32
    return %arg0, %c0_i32 : i32, i32
  }
}

</mosaic_0001>

<sc_bundles>
// kernel: kernel.6.cloned.1.call-start
scs
__scs_entry_jumppad:
0x0: {  	(pc) =	sbr.rel $0x88, $3  }
0x1: {  	(tag) =	ssettag $0x0;
	lr =	simm.s32 $0x1  }
0x2: {  	[smem:$0x3F95] =	sst lr;
	_ =	strace $0xD0000000  }
0x3: {  	_ = 	snop  }
0x4: {  	_ = 	snop  }
0x5: {  	_ = 	snop  }
0x6: {  	_ = 	snop  }
0x7: {  	_ = 	snop  }
__scs_overlays_trampoline_lowered:
0x8: {  	[smem:$0x3FA4] =	sst s0  }
0x9: {  	[smem:$0x3FA5] =	sst s1  }
0xa: {  	[smem:$0x3FA6] =	sst s2  }
0xb: {  	[smem:$0x3FA7] =	sst s3  }
0xc: {  	[smem:$0x3FA8] =	sst s4  }
0xd: {  	[smem:$0x3FA9] =	sst s5  }
0xe: {  	[smem:$0x3FAA] =	sst s6  }
0xf: {  	[smem:$0x3FAB] =	sst s7  }
0x10: {  	[smem:$0x3FAC] =	sst s8  }
0x11: {  	[smem:$0x3FAD] =	sst s9;
	s0 =	simm.s32 @!p0 $0x0  }
0x12: {  	s1 =	sld [smem:$0x3F93];
	s0 =	simm.s32 @p0 $0x1  }
0x13: {  	[smem:$0x3FAE] =	sst s0;
	s0 =	simm.s32 @!p1 $0x0  }
0x14: {  	s2 =	sld [smem:$0x3F92];
	s0 =	simm.s32 @p1 $0x1  }
0x15: {  	[smem:$0x3FAF] =	sst s0;
	s0 =	simm.s32 @!p2 $0x0  }
0x16: {  	s3 =	sld [smem:$0x3FDB];
	s0 =	simm.s32 @p2 $0x1  }
0x17: {  	s4 =	simm.s32 $0x1BF5;
	[smem:$0x3FB1] =	sst s0  }
0x18: {  	s0 =	sld [smem:$0x3F94];
	_ =	swait.ge [sflag:s4], $0x0  }
0x19: {  	s7 =	sld [smem:$0x3F95]  }
0x1a: {  	s8 =	sadd.s32 $0xFFFFE003, lr  }
0x1b: {  	s9 =	sadd.s32 $0xFFFFFEF7, lr;
	s5 =	simm.s32 $0xFFFFFFFF;
	p2 =	slt.u32 s8, $0xFFFFF086  }
0x1c: {  	p1 =	slt.u32 s9, $0xF7A;
	s5 =	simm.s32 @!p2 $0x0  }
0x1d: {  	s5 =	simm.s32 @p1 $0x1;
	p0 =	seq.s32 s7, s2  }
0x1e: {  	s7 =	smul.u32 @!p0 $0xF7A, s2;
	p2 =	seq.s32 @!p0 s5, $0x0  }
0x1f: {  	s9 =	smul.u32 $0xF7A, s1;
	s8 =	simm.s32 @!p0 $0x1BF5;
	p2 =	por !p2, p0  }
0x20: {  	[sflag:s8] =	ssyncset.s32 @!p0 $0xFFFFF086;
	s6 =	sadd.s32 @!p0 s3, s7;
	s7 =	simm.s32 @!p0 $0x108  }
0x21: {  	s3 =	sadd.s32 s3, s9;
	s6 =	sadd.s32 @!p0 $0x88, s6;
	s7 =	simm.s32 @p2 $0x1082  }
0x22: {  	[simem:s7], [sflag:s8] =	dma.local @!p0 [hbm:s6], $0xF7A  }
0x23: {  	s9 =	sor.u32 $0xD0000000, s2;
	s6 =	simm.s32 $0x108;
	_ =	swait.ge @!p0 [sflag:s8], $0x0  }
0x24: {  	s3 =	sadd.s32 $0x88, s3;
	s6 =	simm.s32 @!p1 $0x1082;
	[sflag:s4] =	ssyncset.s32 $0xFFFFF086  }
0x25: {  	[simem:s6], [sflag:s4] =	dma.local [hbm:s3], $0xF7A  }
0x26: {  	[smem:$0x3F95] =	sst s1;
	(tag) =	ssettag s2;
	_ =	strace s9  }
0x27: {  	s1 =	sld [smem:$0x3FA5]  }
0x28: {  	s2 =	sld [smem:$0x3FA6]  }
0x29: {  	s4 =	sld [smem:$0x3FA8]  }
0x2a: {  	p0 =	seq.s32 s5, $0x0;
	s5 =	sld [smem:$0x3FA9]  }
0x2b: {  	s6 =	sld [smem:$0x3FAA]  }
0x2c: {  	s7 =	sld [smem:$0x3FAB]  }
0x2d: {  	s3 =	simm.s32 $0x108;
	s8 =	sld [smem:$0x3FAC]  }
0x2e: {  	s3 =	simm.s32 @!p0 $0x1082;
	s9 =	sld [smem:$0x3FAD]  }
0x2f: {  	lr =	sadd.s32 s0, s3;
	s0 =	sld [smem:$0x3FA4]  }
0x30: {  	s3 =	sld [smem:$0x3FA7]  }
0x31: {  	[smem:$0x3FB0] =	sst s10  }
0x32: {  	s10 =	sld [smem:$0x3FAE];
	_ =	sdelay $0x3  }
0x33: {  	p0 =	seq.s32 s10, $0x1;
	s10 =	sld [smem:$0x3FB0];
	_ =	sdelay $0x3  }
0x34: {  	[smem:$0x3FB0] =	sst s10  }
0x35: {  	s10 =	sld [smem:$0x3FAF];
	_ =	sdelay $0x3  }
0x36: {  	p1 =	seq.s32 s10, $0x1;
	s10 =	sld [smem:$0x3FB0];
	_ =	sdelay $0x3  }
0x37: {  	[smem:$0x3FB0] =	sst s10  }
0x38: {  	s10 =	sld [smem:$0x3FB1]  }
0x39: {  	_ = 	snop;
	(pc) =	sbr.ind lr, $3  }
0x3a: {  	_ = 	snop  }
0x3b: {  	_ = 	snop  }
0x3c: {  	p2 =	seq.s32 s10, $0x1;
	s10 =	sld [smem:$0x3FB0]  }
0x3d: {  	_ =	shalt  }
0x3e: {  	_ =	shalt  }
0x3f: {  	_ =	shalt  }
0x40: {  	_ =	shalt  }
0x41: {  	_ =	shalt  }
0x42: {  	_ =	shalt  }
0x43: {  	_ =	shalt  }
0x44: {  	_ =	shalt  }
0x45: {  	_ =	shalt  }
0x46: {  	_ =	shalt  }
0x47: {  	_ =	shalt  }
0x48: {  	_ =	shalt  }
0x49: {  	_ =	shalt  }
0x4a: {  	_ =	shalt  }
0x4b: {  	_ =	shalt  }
0x4c: {  	_ =	shalt  }
0x4d: {  	_ =	shalt  }
0x4e: {  	_ =	shalt  }
0x4f: {  	_ =	shalt  }
0x50: {  	_ =	shalt  }
0x51: {  	_ =	shalt  }
0x52: {  	_ =	shalt  }
0x53: {  	_ =	shalt  }
0x54: {  	_ =	shalt  }
0x55: {  	_ =	shalt  }
0x56: {  	_ =	shalt  }
0x57: {  	_ =	shalt  }
0x58: {  	_ =	shalt  }
0x59: {  	_ =	shalt  }
0x5a: {  	_ =	shalt  }
0x5b: {  	_ =	shalt  }
0x5c: {  	_ =	shalt  }
0x5d: {  	_ =	shalt  }
0x5e: {  	_ =	shalt  }
0x5f: {  	_ =	shalt  }
0x60: {  	_ =	shalt  }
0x61: {  	_ =	shalt  }
0x62: {  	_ =	shalt  }
0x63: {  	_ =	shalt  }
0x64: {  	_ =	shalt  }
0x65: {  	_ =	shalt  }
0x66: {  	_ =	shalt  }
0x67: {  	_ =	shalt  }
0x68: {  	_ =	shalt  }
0x69: {  	_ =	shalt  }
0x6a: {  	_ =	shalt  }
0x6b: {  	_ =	shalt  }
0x6c: {  	_ =	shalt  }
0x6d: {  	_ =	shalt  }
0x6e: {  	_ =	shalt  }
0x6f: {  	_ =	shalt  }
0x70: {  	_ =	shalt  }
0x71: {  	_ =	shalt  }
0x72: {  	_ =	shalt  }
0x73: {  	_ =	shalt  }
0x74: {  	_ =	shalt  }
0x75: {  	_ =	shalt  }
0x76: {  	_ =	shalt  }
0x77: {  	_ =	shalt  }
0x78: {  	_ =	shalt  }
0x79: {  	_ =	shalt  }
0x7a: {  	_ =	shalt  }
0x7b: {  	_ =	shalt  }
0x7c: {  	_ =	shalt  }
0x7d: {  	_ =	shalt  }
0x7e: {  	_ =	shalt  }
0x7f: {  	_ =	shalt  }
0x80: {  	_ =	shalt  }
0x81: {  	_ =	shalt  }
0x82: {  	_ =	shalt  }
0x83: {  	_ =	shalt  }
0x84: {  	_ =	shalt  }
0x85: {  	_ =	shalt  }
0x86: {  	_ =	shalt  }
0x87: {  	_ =	shalt  }
.Lfunc_end0:
.L_simem_size_0:
called_computation_lowered:
.L_overlay_start_0:
0x88: {  	s2 =	sld [smem:$0x3FD9]  }
0x89: {  	s3 =	sld [smem:$0x3FFE];
	_ =	sdelay $0x1  }
0x8a: {  	s1 =	srdreg.scid  }
0x8b: {  	s0 =	sand.u32 $0x1, s1  }
0x8c: {  	s17 =	sshll.u32 s0, $0xA;
	s2 =	sadd.s32 s3, s2  }
0x8d: {  	s2 =	sadd.s32 s2, s17  }
0x8e: {  	[smem:$0x3FBC] =	sst s2  }
0x8f: {  	_ = 	snop  }
0x90: {  	s2 =	sld [smem:$0x3FC9]  }
0x91: {  	s18 =	sld [smem:$0x3FD0];
	(tm) =	ssettm $0x1  }
0x92: {  	s4 =	sld [smem:$0x3FFB];
	_ =	sdelay $0x3  }
0x93: {  	_ =	strace s4  }
0x94: {  	s4 =	sld [smem:$0x3FFC];
	_ =	sdelay $0x3  }
0x95: {  	_ =	strace s4  }
0x96: {  	s4 =	sld [smem:$0x3FFD];
	_ =	sdelay $0x3  }
0x97: {  	_ =	strace s4  }
0x98: {  	_ =	strace $0x8FFFFFFF  }
0x99: {  	s19 =	sld [smem:$0x3FDB];
	_ =	sdelay $0x1  }
0x9a: {  	s5 =	simm.s32 $_scs_section_size  }
0x9b: {  	s6 =	simm.s32 $_size__tile_overlayer_lowered;
	s7 =	simm.s32 $_tile_overlayer_lowered  }
0x9c: {  	s22 =	simm.s32 $0x1BFF;
	s21 =	sshll.u32 s7, $0x1;
	s4 =	sadd.s32 s5, s19  }
0x9d: {  	s8 =	simm.s32 $0x0;
	s20 =	sshll.u32 s6, $0x1;
	s6 =	sadd.s32 s21, s4  }
0x9e: {  	[timem:s8], [sflag:s22] =	dma.local [hbm:s6], s20  }
0x9f: {  	_ =	swait.ge [sflag:s22], s20  }
0xa0: {  	s5 =	ssub.s32 $0x0, s20;
	[sflag:s22] =	ssyncset.done $0x0  }
0xa1: {  	[sflag:s22] =	ssyncadd.s32 s5;
	_ =	sdelay $0x1  }
0xa2: {  	s23 =	simm.s32 $0x1B8B  }
0xa3: {  	_ =	swait.ge [sflag:s23], $0x1  }
0xa4: {  	[sflag:s23] =	ssyncset.done $0x0  }
0xa5: {  	s25 =	simm.s32 $0x1B8E;
	s24 =	sld [smem:$0x3FFE];
	[sflag:s23] =	ssyncadd.s32 $0xFFFFFFFF  }
0xa6: {  	s26 =	simm.s32 $execute0_lowered;
	[smem:$0x3FD2] =	sst s25  }
0xa7: {  	s6 =	sshll.u32 s26, $0x1;
	_ =	strace $0x80000046;
	[dreg:$0x1] =	wrdreg $0xFFFFFFFF  }
0xa8: {  	s28 =	simm.s32 $_size_execute0_lowered;
	s4 =	sadd.s32 s4, s6;
	[dreg:$0x0] =	wrdreg $0x0  }
0xa9: {  	s6 =	sshll.u32 s28, $0x1;
	[dreg:$0x2] =	wrdreg s4  }
0xaa: {  	[dreg:$0x3] =	wrdreg s6  }
0xab: {  	[dreg:$0x4] =	wrdreg $0xC0  }
0xac: {  	_ =	task [dreg:s8], $0x5FFFF  }
0xad: {  	[dreg:$0x1] =	wrdreg $0xFFFFFFFF  }
0xae: {  	[dreg:$0x0] =	wrdreg $0x60  }
0xaf: {  	[dreg:$0x2] =	wrdreg s2  }
0xb0: {  	[dreg:$0x3] =	wrdreg s18  }
0xb1: {  	[dreg:$0x4] =	wrdreg s24  }
0xb2: {  	[dreg:$0x5] =	wrdreg $0x9  }
0xb3: {  	_ =	task.clear_ibuf [dreg:s8], $0x6FFFF;
	_ =	strace $0x90000046  }
0xb4: {  	s29 =	simm.s32 $0x9;
	_ =	strace $0x80000048  }
0xb5: {  	_ =	swait.ge [sflag:s29], $0x1  }
0xb6: {  	[sflag:s29] =	ssyncadd.s32 $0xFFFFFFFF  }
0xb7: {  	_ =	strace $0x90000048  }
0xb8: {  	_ =	sfence  }
0xb9: {  	s30 =	sld [smem:$0x0];
	_ =	sdelay $0x2  }
0xba: {  	s31 =	sshll.u32 s1, $0xD;
	s1 =	sshrl.u32 s1, $0x2  }
0xbb: {  	s3 =	sand.u32 $0x4000, s31;
	s1 =	sadd.s32 s1, s30  }
0xbc: {  	s0 =	sor.u32 s3, s0;
	s1 =	sshll.u32 s1, $0x11  }
0xbd: {  	s0 =	sor.u32 s1, s0  }
0xbe: {  	s0 =	sadd.s32 $0x8F2B, s0  }
0xbf: {  	[sflag:s0] =	ssyncadd.remote.s32 $0x1  }
0xc0: {  	_ =	sfence.sel $0xFFFF  }
0xc1: {  	[dreg:$0x0] =	wrdreg $0xFFFFFFFF;
	(pc) =	sbr.abs _section_cstart, $3  }
0xc2: {  	[dreg:$0x1] =	wrdreg $0xFFFFFFFF  }
0xc3: {  	_ =	task.clear_ibuf [dreg:s8], $0x2FFFF;
	_ =	strace $0x9FFFFFFF  }
0xc4: {  	(tm) =	ssettm $0x7FFFFFFF  }
0xc5: {  	_ =	shalt  }
tec
execute0_lowered:
.L_overlay_start_1:
0x0: {  	(tag) =	ssettag $0x1  }
0x1: {  	s1 =	rddreg [dreg:$0x0]  }
0x2: {  	s10 =	rddreg [dreg:$0x1]  }
0x3: {  	s4 =	rddreg [dreg:$0x2]  }
0x4: {  	s0 =	rddreg [dreg:$0x3];
	s5 =	srdreg.scid  }
0x5: {  	s3 =	simm.s32 $0x0;
	s2 =	stileid.u32;
	s17 =	simm.s32 $0x1  }
0x6: {  	s18 =	simm.s32 $0x2;
	s19 =	simm.s32 $0x0;
	s11 =	sand.u32 $0x1, s5  }
0x7: {  	[smem:$0x7FF] =	sst s3;
	s26 =	sshll.u32 s2, $0x8;
	s9 =	sadd.s32 $0x2200, s4  }
0x8: {  	s13 =	sadd.s32 $0xC000, s4;
	s14 =	sadd.s32 $0x4EE000, s4;
	s30 =	sshll.u32 s2, $0xC  }
0x9: {  	p0 =	sgt.u32 s2, $0x1;
	s6 =	sshll.u32 s11, $0x7;
	_ =	strace $0x80000047  }
0xa: {  	s28 =	ssub.s32 $0x2, s11;
	s16 =	sshll.u32 s11, $0xB;
	s12 =	sor.u32 s6, s26  }
0xb: {  	s31 =	sadd.s32 s30, s14;
	s29 =	sshrl.u32 s28, $0x1;
	s6 =	sor.u32 $0x4E000, s12  }
0xc: {  	s8 =	ssub.s32 s28, s29;
	s12 =	sshrl.u32 s12, $0x3;
	s7 =	sshrl.u32 s6, $0x3  }
0xd: {  	s15 =	sshll.u32 s6, $0x4;
	s8 =	smax.u32 s8, $0x1;
	s4 =	sadd.s32 s10, s7  }
0xe: {  	s5 =	sadd.s32 s9, s7;
	s6 =	sadd.s32 s13, s15;
	s7 =	sadd.s32 s14, s15  }
0xf: {  	s9 =	sadd.s32 s12, s9;
	s13 =	sadd.s32 s30, s13;
	s10 =	sadd.s32 s12, s10  }
0x10: {  	s12 =	sadd.s32 s16, s31;
	s14 =	simm.s32 $0x80;
	s15 =	simm.s32 $0x100  }
0x11: {  	s11 =	sadd.s32 s16, s13;
	s13 =	simm.s32 $0x3;
	s16 =	simm.s32 $0x4100  }
.LBB2_1:
0x12: {  	s20 =	sadd.s32 $0x0, s10  }
0x13: {  	[tilespmem:s3], [sflag:$0x3] =	stream.linear.gather [hbm4b:s20+s3], $0x80, $0x38;
	[tilespmem:$0x8100] =	vst v63  }
0x14: {  	_ =	swait.ge [sflag:s13], $0x80  }
0x15: {  	[sflag:s13] =	ssyncset.done $0x0  }
0x16: {  	s31 =	sadd.s32 $0x0, s9;
	[sflag:s13] =	ssyncadd.s32 $0xFFFFFF80  }
0x17: {  	[tilespmem:s14], [sflag:$0x3] =	stream.linear.gather [hbm4b:s31+s3], $0x80, $0x38;
	[tilespmem:$0x8100] =	vst v63  }
0x18: {  	_ =	swait.ge [sflag:s13], $0x80  }
0x19: {  	[sflag:s13] =	ssyncset.done $0x0  }
0x1a: {  	[sflag:s13] =	ssyncadd.s32 $0xFFFFFF80  }
0x1b: {  	[tilespmem:s15], [sflag:$0x1] =	stream.indirect.gather [hbm4b:s1+s14], $0x80, s3, s14, $0xb8;
	[tilespmem:$0x8100] =	vst v63  }
0x1c: {  	_ = 	snop  }
0x1d: {  	[tilespmem:s16], [sflag:$0x2] =	stream.indirect.gather [hbm4b:s1+s14], $0x80, s14, s14, $0xb8;
	[tilespmem:$0x8100] =	vst v63  }
0x1e: {  	_ =	swait.ge [sflag:s17], $0x4000  }
0x1f: {  	[sflag:s17] =	ssyncset.done $0x0  }
0x20: {  	[sflag:s17] =	ssyncadd.s32 $0xFFFFC000  }
0x21: {  	_ =	swait.ge [sflag:s18], $0x4000  }
0x22: {  	[sflag:s18] =	ssyncset.done $0x0  }
0x23: {  	[sflag:s18] =	ssyncadd.s32 $0xFFFFC000  }
0x24: {  	[hbm4b:s11+s3] =	stream.linear.scatter [tilespmem:s15], [sflag:$0x3], $0x4000, $0x38;
	[tilespmem:$0x8100] =	vst v63  }
0x25: {  	_ =	swait.ge [sflag:s13], $0x4000  }
0x26: {  	[sflag:s13] =	ssyncset.done $0x0  }
0x27: {  	[sflag:s13] =	ssyncadd.s32 $0xFFFFC000  }
0x28: {  	[hbm4b:s12+s3] =	stream.linear.scatter [tilespmem:s16], [sflag:$0x3], $0x4000, $0x38;
	[tilespmem:$0x8100] =	vst v63  }
0x29: {  	s22 =	simm.s32 $0x200;
	s23 =	simm.s32 $0x400;
	_ =	swait.ge [sflag:s13], $0x4000  }
0x2a: {  	s21 =	sadd.s32 $0x10000, s11;
	s20 =	sadd.s32 $0x10000, s12;
	[sflag:s13] =	ssyncset.done $0x0  }
.LBB2_2:
0x2b: {  	s24 =	sadd.s32 s22, s10  }
0x2c: {  	[sflag:s13] =	ssyncadd.s32 $0xFFFFC000;
	s25 =	smov.u32 s23;
	s26 =	sadd.s32 $0x200, s23  }
0x2d: {  	[tilespmem:s3], [sflag:$0x3] =	stream.linear.gather [hbm4b:s24+s3], $0x80, $0x38;
	[tilespmem:$0x8100] =	vst v63  }
0x2e: {  	p1 =	sne.s32 s23, $0x9A00;
	_ =	swait.ge [sflag:s13], $0x80  }
0x2f: {  	[sflag:s13] =	ssyncset.done $0x0  }
0x30: {  	s23 =	sadd.s32 s22, s9;
	s22 =	smov.u32 s25;
	[sflag:s13] =	ssyncadd.s32 $0xFFFFFF80  }
0x31: {  	[tilespmem:s14], [sflag:$0x3] =	stream.linear.gather [hbm4b:s23+s3], $0x80, $0x38;
	[tilespmem:$0x8100] =	vst v63  }
0x32: {  	_ =	swait.ge [sflag:s13], $0x80  }
0x33: {  	[sflag:s13] =	ssyncset.done $0x0  }
0x34: {  	[sflag:s13] =	ssyncadd.s32 $0xFFFFFF80  }
0x35: {  	[tilespmem:s15], [sflag:$0x1] =	stream.indirect.gather [hbm4b:s1+s14], $0x80, s3, s14, $0xb8;
	[tilespmem:$0x8100] =	vst v63  }
0x36: {  	_ = 	snop  }
0x37: {  	[tilespmem:s16], [sflag:$0x2] =	stream.indirect.gather [hbm4b:s1+s14], $0x80, s14, s14, $0xb8;
	[tilespmem:$0x8100] =	vst v63  }
0x38: {  	_ =	swait.ge [sflag:s17], $0x4000  }
0x39: {  	[sflag:s17] =	ssyncset.done $0x0  }
0x3a: {  	[sflag:s17] =	ssyncadd.s32 $0xFFFFC000  }
0x3b: {  	_ =	swait.ge [sflag:s18], $0x4000  }
0x3c: {  	[sflag:s18] =	ssyncset.done $0x0  }
0x3d: {  	[sflag:s18] =	ssyncadd.s32 $0xFFFFC000  }
0x3e: {  	[hbm4b:s21+s3] =	stream.linear.scatter [tilespmem:s15], [sflag:$0x3], $0x4000, $0x38;
	[tilespmem:$0x8100] =	vst v63  }
0x3f: {  	_ =	swait.ge [sflag:s13], $0x4000  }
.Ltmp0:
0x40: {  	[sflag:s13] =	ssyncset.done $0x0;
	(pc) =	sbr.rel @p1 .LBB2_2-.Ltmp0, $4  }
0x41: {  	[sflag:s13] =	ssyncadd.s32 $0xFFFFC000  }
0x42: {  	[hbm4b:s20+s3] =	stream.linear.scatter [tilespmem:s16], [sflag:$0x3], $0x4000, $0x38;
	[tilespmem:$0x8100] =	vst v63  }
0x43: {  	s23 =	smov.u32 s26;
	_ =	swait.ge [sflag:s13], $0x4000  }
0x44: {  	s21 =	sadd.s32 $0x10000, s21;
	s20 =	sadd.s32 $0x10000, s20;
	[sflag:s13] =	ssyncset.done $0x0  }
0x45: {  	s23 =	sadd.s32 s22, s10;
	[sflag:s13] =	ssyncadd.s32 $0xFFFFC000  }
0x46: {  	[tilespmem:s3], [sflag:$0x3] =	stream.linear.gather [hbm4b:s23+s3], $0x80, $0x38;
	[tilespmem:$0x8100] =	vst v63  }
0x47: {  	_ =	swait.ge [sflag:s13], $0x80  }
0x48: {  	[sflag:s13] =	ssyncset.done $0x0  }
0x49: {  	s31 =	sadd.s32 s22, s9;
	[sflag:s13] =	ssyncadd.s32 $0xFFFFFF80  }
0x4a: {  	[tilespmem:s14], [sflag:$0x3] =	stream.linear.gather [hbm4b:s31+s3], $0x80, $0x38;
	[tilespmem:$0x8100] =	vst v63  }
0x4b: {  	_ =	swait.ge [sflag:s13], $0x80  }
0x4c: {  	[sflag:s13] =	ssyncset.done $0x0  }
0x4d: {  	[sflag:s13] =	ssyncadd.s32 $0xFFFFFF80  }
0x4e: {  	[tilespmem:s15], [sflag:$0x1] =	stream.indirect.gather [hbm4b:s1+s14], $0x80, s3, s14, $0xb8;
	[tilespmem:$0x8100] =	vst v63  }
0x4f: {  	_ = 	snop  }
0x50: {  	[tilespmem:s16], [sflag:$0x2] =	stream.indirect.gather [hbm4b:s1+s14], $0x80, s14, s14, $0xb8;
	[tilespmem:$0x8100] =	vst v63  }
0x51: {  	_ =	swait.ge [sflag:s17], $0x4000  }
0x52: {  	[sflag:s17] =	ssyncset.done $0x0  }
0x53: {  	[sflag:s17] =	ssyncadd.s32 $0xFFFFC000  }
0x54: {  	_ =	swait.ge [sflag:s18], $0x4000  }
0x55: {  	[sflag:s18] =	ssyncset.done $0x0  }
0x56: {  	[sflag:s18] =	ssyncadd.s32 $0xFFFFC000  }
0x57: {  	[hbm4b:s21+s3] =	stream.linear.scatter [tilespmem:s15], [sflag:$0x3], $0x4000, $0x38;
	[tilespmem:$0x8100] =	vst v63  }
0x58: {  	_ =	swait.ge [sflag:s13], $0x4000  }
0x59: {  	[sflag:s13] =	ssyncset.done $0x0  }
0x5a: {  	[sflag:s13] =	ssyncadd.s32 $0xFFFFC000  }
0x5b: {  	[hbm4b:s20+s3] =	stream.linear.scatter [tilespmem:s16], [sflag:$0x3], $0x4000, $0x38;
	[tilespmem:$0x8100] =	vst v63  }
0x5c: {  	_ =	swait.ge [sflag:s13], $0x4000  }
0x5d: {  	[sflag:s13] =	ssyncset.done $0x0  }
0x5e: {  	s21 =	simm.s32 @!p0 $0x3;
	s20 =	simm.s32 @!p0 $0x0;
	[sflag:s13] =	ssyncadd.s32 $0xFFFFC000  }
0x5f: {  	[tilespmem:s20], [sflag:$0x3] =	stream.linear.gather @!p0 [hbm4b:s4+s20], $0x80, $0x38;
	[tilespmem:$0x8100] =	vst v63  }
0x60: {  	_ =	swait.ge @!p0 [sflag:s21], $0x80  }
0x61: {  	[sflag:s21] =	ssyncset.done @!p0 $0x0  }
0x62: {  	s22 =	simm.s32 @!p0 $0x80;
	[sflag:s21] =	ssyncadd.s32 @!p0 $0xFFFFFF80  }
0x63: {  	[tilespmem:s22], [sflag:$0x3] =	stream.linear.gather @!p0 [hbm4b:s5+s20], $0x80, $0x38;
	[tilespmem:$0x8100] =	vst v63  }
0x64: {  	_ =	swait.ge @!p0 [sflag:s21], $0x80  }
0x65: {  	[sflag:s21] =	ssyncset.done @!p0 $0x0  }
0x66: {  	s23 =	simm.s32 @!p0 $0x100;
	[sflag:s21] =	ssyncadd.s32 @!p0 $0xFFFFFF80  }
0x67: {  	[tilespmem:s23], [sflag:$0x1] =	stream.indirect.gather @!p0 [hbm4b:s1+s22], $0x80, s20, s22, $0xb8;
	[tilespmem:$0x8100] =	vst v63  }
0x68: {  	s24 =	simm.s32 @!p0 $0x4100  }
0x69: {  	[tilespmem:s24], [sflag:$0x2] =	stream.indirect.gather @!p0 [hbm4b:s1+s22], $0x80, s22, s22, $0xb8;
	[tilespmem:$0x8100] =	vst v63  }
0x6a: {  	s22 =	simm.s32 @!p0 $0x1  }
0x6b: {  	_ =	swait.ge @!p0 [sflag:s22], $0x4000  }
0x6c: {  	[sflag:s22] =	ssyncset.done @!p0 $0x0  }
0x6d: {  	[sflag:s22] =	ssyncadd.s32 @!p0 $0xFFFFC000;
	s22 =	simm.s32 @!p0 $0x2  }
0x6e: {  	_ =	swait.ge @!p0 [sflag:s22], $0x4000  }
0x6f: {  	[sflag:s22] =	ssyncset.done @!p0 $0x0  }
0x70: {  	[sflag:s22] =	ssyncadd.s32 @!p0 $0xFFFFC000  }
0x71: {  	[hbm4b:s6+s20] =	stream.linear.scatter @!p0 [tilespmem:s23], [sflag:$0x3], $0x4000, $0x38;
	[tilespmem:$0x8100] =	vst v63  }
0x72: {  	s19 =	sadd.s32 $0x1, s19;
	_ =	swait.ge @!p0 [sflag:s21], $0x4000  }
0x73: {  	p1 =	sne.s32 s19, s8;
	[sflag:s21] =	ssyncset.done @!p0 $0x0  }
.Ltmp1:
0x74: {  	[sflag:s21] =	ssyncadd.s32 @!p0 $0xFFFFC000;
	(pc) =	sbr.rel @p1 .LBB2_1-.Ltmp1, $4  }
0x75: {  	[hbm4b:s7+s20] =	stream.linear.scatter @!p0 [tilespmem:s24], [sflag:$0x3], $0x4000, $0x38;
	[tilespmem:$0x8100] =	vst v63  }
0x76: {  	_ =	swait.ge @!p0 [sflag:s21], $0x4000  }
0x77: {  	[sflag:s21] =	ssyncset.done @!p0 $0x0  }
0x78: {  	[sflag:s21] =	ssyncadd.s32 @!p0 $0xFFFFC000  }
0x79: {  	_ =	sfence.sel $0x180000  }
0x7a: {  	[bflag:$0x0] =	sbarrier.arrive $0xFFFF  }
0x7b: {  	p0 =	sne.s32 s2, $0x0;
	_ =	strace $0x90000047  }
0x7c: {  	s0 =	sadd.s32 @!p0 $0x100000, s0;
	[bflag:$0x2] =	sbarrier.arrive $0xFFFF  }
0x7d: {  	[sflag:s0] =	ssyncadd.tile.s32 @!p0 $0x1;
	_ =	shalt  }
.Lfunc_end2:
_tile_overlayer_lowered:
.L_overlay_start_2:
0x7e: {  	(tag) =	ssettag $0x2  }
0x7f: {  	s0 =	rddreg [dreg:$0x0];
	s2 =	stileid.u32  }
0x80: {  	s1 =	rddreg [dreg:$0x1];
	p0 =	sne.s32 s2, $0x0  }
0x81: {  	s3 =	rddreg [dreg:$0x2];
	[bflag:$0x3] =	sbarrier.arrive $0xFFFF;
	s2 =	simm.s32 @!p0 $0x1C03  }
0x82: {  	[timem:s3], [sflag:s2] =	dma.local @!p0 [hbm:s0], s1  }
0x83: {  	s0 =	simm.s32 @!p0 $0x3  }
0x84: {  	_ =	swait.ge @!p0 [sflag:s0], s1  }
0x85: {  	s1 =	ssub.s32 @!p0 $0x0, s1;
	[sflag:s0] =	ssyncset.done @!p0 $0x0  }
0x86: {  	[sflag:s0] =	ssyncadd.s32 @!p0 s1  }
0x87: {  	[bflag:$0x3] =	sbarrier.arrive $0xFFFF  }
0x88: {  	_ =	shalt  }

// kernel: kernel.9.cloned.1.call-start
scs
__scs_entry_jumppad:
0x0: {  	(pc) =	sbr.rel $0x88, $3  }
0x1: {  	(tag) =	ssettag $0x0;
	lr =	simm.s32 $0x1  }
0x2: {  	[smem:$0x3F95] =	sst lr;
	_ =	strace $0xD0000000  }
0x3: {  	_ = 	snop  }
0x4: {  	_ = 	snop  }
0x5: {  	_ = 	snop  }
0x6: {  	_ = 	snop  }
0x7: {  	_ = 	snop  }
__scs_overlays_trampoline_lowered:
0x8: {  	[smem:$0x3FA4] =	sst s0  }
0x9: {  	[smem:$0x3FA5] =	sst s1  }
0xa: {  	[smem:$0x3FA6] =	sst s2  }
0xb: {  	[smem:$0x3FA7] =	sst s3  }
0xc: {  	[smem:$0x3FA8] =	sst s4  }
0xd: {  	[smem:$0x3FA9] =	sst s5  }
0xe: {  	[smem:$0x3FAA] =	sst s6  }
0xf: {  	[smem:$0x3FAB] =	sst s7  }
0x10: {  	[smem:$0x3FAC] =	sst s8  }
0x11: {  	[smem:$0x3FAD] =	sst s9;
	s0 =	simm.s32 @!p0 $0x0  }
0x12: {  	s1 =	sld [smem:$0x3F93];
	s0 =	simm.s32 @p0 $0x1  }
0x13: {  	[smem:$0x3FAE] =	sst s0;
	s0 =	simm.s32 @!p1 $0x0  }
0x14: {  	s2 =	sld [smem:$0x3F92];
	s0 =	simm.s32 @p1 $0x1  }
0x15: {  	[smem:$0x3FAF] =	sst s0;
	s0 =	simm.s32 @!p2 $0x0  }
0x16: {  	s3 =	sld [smem:$0x3FDB];
	s0 =	simm.s32 @p2 $0x1  }
0x17: {  	s4 =	simm.s32 $0x1BF5;
	[smem:$0x3FB1] =	sst s0  }
0x18: {  	s0 =	sld [smem:$0x3F94];
	_ =	swait.ge [sflag:s4], $0x0  }
0x19: {  	s7 =	sld [smem:$0x3F95]  }
0x1a: {  	s8 =	sadd.s32 $0xFFFFE003, lr  }
0x1b: {  	s9 =	sadd.s32 $0xFFFFFEF7, lr;
	s5 =	simm.s32 $0xFFFFFFFF;
	p2 =	slt.u32 s8, $0xFFFFF086  }
0x1c: {  	p1 =	slt.u32 s9, $0xF7A;
	s5 =	simm.s32 @!p2 $0x0  }
0x1d: {  	s5 =	simm.s32 @p1 $0x1;
	p0 =	seq.s32 s7, s2  }
0x1e: {  	s7 =	smul.u32 @!p0 $0xF7A, s2;
	p2 =	seq.s32 @!p0 s5, $0x0  }
0x1f: {  	s9 =	smul.u32 $0xF7A, s1;
	s8 =	simm.s32 @!p0 $0x1BF5;
	p2 =	por !p2, p0  }
0x20: {  	[sflag:s8] =	ssyncset.s32 @!p0 $0xFFFFF086;
	s6 =	sadd.s32 @!p0 s3, s7;
	s7 =	simm.s32 @!p0 $0x108  }
0x21: {  	s3 =	sadd.s32 s3, s9;
	s6 =	sadd.s32 @!p0 $0x88, s6;
	s7 =	simm.s32 @p2 $0x1082  }
0x22: {  	[simem:s7], [sflag:s8] =	dma.local @!p0 [hbm:s6], $0xF7A  }
0x23: {  	s9 =	sor.u32 $0xD0000000, s2;
	s6 =	simm.s32 $0x108;
	_ =	swait.ge @!p0 [sflag:s8], $0x0  }
0x24: {  	s3 =	sadd.s32 $0x88, s3;
	s6 =	simm.s32 @!p1 $0x1082;
	[sflag:s4] =	ssyncset.s32 $0xFFFFF086  }
0x25: {  	[simem:s6], [sflag:s4] =	dma.local [hbm:s3], $0xF7A  }
0x26: {  	[smem:$0x3F95] =	sst s1;
	(tag) =	ssettag s2;
	_ =	strace s9  }
0x27: {  	s1 =	sld [smem:$0x3FA5]  }
0x28: {  	s2 =	sld [smem:$0x3FA6]  }
0x29: {  	s4 =	sld [smem:$0x3FA8]  }
0x2a: {  	p0 =	seq.s32 s5, $0x0;
	s5 =	sld [smem:$0x3FA9]  }
0x2b: {  	s6 =	sld [smem:$0x3FAA]  }
0x2c: {  	s7 =	sld [smem:$0x3FAB]  }
0x2d: {  	s3 =	simm.s32 $0x108;
	s8 =	sld [smem:$0x3FAC]  }
0x2e: {  	s3 =	simm.s32 @!p0 $0x1082;
	s9 =	sld [smem:$0x3FAD]  }
0x2f: {  	lr =	sadd.s32 s0, s3;
	s0 =	sld [smem:$0x3FA4]  }
0x30: {  	s3 =	sld [smem:$0x3FA7]  }
0x31: {  	[smem:$0x3FB0] =	sst s10  }
0x32: {  	s10 =	sld [smem:$0x3FAE];
	_ =	sdelay $0x3  }
0x33: {  	p0 =	seq.s32 s10, $0x1;
	s10 =	sld [smem:$0x3FB0];
	_ =	sdelay $0x3  }
0x34: {  	[smem:$0x3FB0] =	sst s10  }
0x35: {  	s10 =	sld [smem:$0x3FAF];
	_ =	sdelay $0x3  }
0x36: {  	p1 =	seq.s32 s10, $0x1;
	s10 =	sld [smem:$0x3FB0];
	_ =	sdelay $0x3  }
0x37: {  	[smem:$0x3FB0] =	sst s10  }
0x38: {  	s10 =	sld [smem:$0x3FB1]  }
0x39: {  	_ = 	snop;
	(pc) =	sbr.ind lr, $3  }
0x3a: {  	_ = 	snop  }
0x3b: {  	_ = 	snop  }
0x3c: {  	p2 =	seq.s32 s10, $0x1;
	s10 =	sld [smem:$0x3FB0]  }
0x3d: {  	_ =	shalt  }
0x3e: {  	_ =	shalt  }
0x3f: {  	_ =	shalt  }
0x40: {  	_ =	shalt  }
0x41: {  	_ =	shalt  }
0x42: {  	_ =	shalt  }
0x43: {  	_ =	shalt  }
0x44: {  	_ =	shalt  }
0x45: {  	_ =	shalt  }
0x46: {  	_ =	shalt  }
0x47: {  	_ =	shalt  }
0x48: {  	_ =	shalt  }
0x49: {  	_ =	shalt  }
0x4a: {  	_ =	shalt  }
0x4b: {  	_ =	shalt  }
0x4c: {  	_ =	shalt  }
0x4d: {  	_ =	shalt  }
0x4e: {  	_ =	shalt  }
0x4f: {  	_ =	shalt  }
0x50: {  	_ =	shalt  }
0x51: {  	_ =	shalt  }
0x52: {  	_ =	shalt  }
0x53: {  	_ =	shalt  }
0x54: {  	_ =	shalt  }
0x55: {  	_ =	shalt  }
0x56: {  	_ =	shalt  }
0x57: {  	_ =	shalt  }
0x58: {  	_ =	shalt  }
0x59: {  	_ =	shalt  }
0x5a: {  	_ =	shalt  }
0x5b: {  	_ =	shalt  }
0x5c: {  	_ =	shalt  }
0x5d: {  	_ =	shalt  }
0x5e: {  	_ =	shalt  }
0x5f: {  	_ =	shalt  }
0x60: {  	_ =	shalt  }
0x61: {  	_ =	shalt  }
0x62: {  	_ =	shalt  }
0x63: {  	_ =	shalt  }
0x64: {  	_ =	shalt  }
0x65: {  	_ =	shalt  }
0x66: {  	_ =	shalt  }
0x67: {  	_ =	shalt  }
0x68: {  	_ =	shalt  }
0x69: {  	_ =	shalt  }
0x6a: {  	_ =	shalt  }
0x6b: {  	_ =	shalt  }
0x6c: {  	_ =	shalt  }
0x6d: {  	_ =	shalt  }
0x6e: {  	_ =	shalt  }
0x6f: {  	_ =	shalt  }
0x70: {  	_ =	shalt  }
0x71: {  	_ =	shalt  }
0x72: {  	_ =	shalt  }
0x73: {  	_ =	shalt  }
0x74: {  	_ =	shalt  }
0x75: {  	_ =	shalt  }
0x76: {  	_ =	shalt  }
0x77: {  	_ =	shalt  }
0x78: {  	_ =	shalt  }
0x79: {  	_ =	shalt  }
0x7a: {  	_ =	shalt  }
0x7b: {  	_ =	shalt  }
0x7c: {  	_ =	shalt  }
0x7d: {  	_ =	shalt  }
0x7e: {  	_ =	shalt  }
0x7f: {  	_ =	shalt  }
0x80: {  	_ =	shalt  }
0x81: {  	_ =	shalt  }
0x82: {  	_ =	shalt  }
0x83: {  	_ =	shalt  }
0x84: {  	_ =	shalt  }
0x85: {  	_ =	shalt  }
0x86: {  	_ =	shalt  }
0x87: {  	_ =	shalt  }
.Lfunc_end0:
.L_simem_size_0:
called_computation.1_lowered:
.L_overlay_start_0:
0x88: {  	s2 =	sld [smem:$0x3FD9]  }
0x89: {  	s3 =	sld [smem:$0x3FFE];
	_ =	sdelay $0x1  }
0x8a: {  	s1 =	srdreg.scid  }
0x8b: {  	s0 =	sand.u32 $0x1, s1  }
0x8c: {  	s17 =	sshll.u32 s0, $0xA;
	s2 =	sadd.s32 s3, s2  }
0x8d: {  	s2 =	sadd.s32 s2, s17  }
0x8e: {  	[smem:$0x3FBC] =	sst s2  }
0x8f: {  	_ = 	snop  }
0x90: {  	s2 =	sld [smem:$0x3FD0];
	(tm) =	ssettm $0x1  }
0x91: {  	s18 =	sld [smem:$0x3FFB];
	_ =	sdelay $0x3  }
0x92: {  	_ =	strace s18  }
0x93: {  	s3 =	sld [smem:$0x3FFC];
	_ =	sdelay $0x3  }
0x94: {  	_ =	strace s3  }
0x95: {  	s3 =	sld [smem:$0x3FFD];
	_ =	sdelay $0x3  }
0x96: {  	_ =	strace s3  }
0x97: {  	_ =	strace $0x8FFFFFFF  }
0x98: {  	s19 =	sld [smem:$0x3FDB];
	_ =	sdelay $0x1  }
0x99: {  	s4 =	simm.s32 $_scs_section_size  }
0x9a: {  	s5 =	simm.s32 $_size__tile_overlayer_lowered;
	s6 =	simm.s32 $_tile_overlayer_lowered  }
0x9b: {  	s22 =	simm.s32 $0x1BFF;
	s21 =	sshll.u32 s6, $0x1;
	s3 =	sadd.s32 s4, s19  }
0x9c: {  	s7 =	simm.s32 $0x0;
	s20 =	sshll.u32 s5, $0x1;
	s5 =	sadd.s32 s21, s3  }
0x9d: {  	[timem:s7], [sflag:s22] =	dma.local [hbm:s5], s20  }
0x9e: {  	_ =	swait.ge [sflag:s22], s20  }
0x9f: {  	s4 =	ssub.s32 $0x0, s20;
	[sflag:s22] =	ssyncset.done $0x0  }
0xa0: {  	[sflag:s22] =	ssyncadd.s32 s4;
	_ =	sdelay $0x1  }
0xa1: {  	s23 =	simm.s32 $0x1B8B  }
0xa2: {  	_ =	swait.ge [sflag:s23], $0x1  }
0xa3: {  	[sflag:s23] =	ssyncset.done $0x0  }
0xa4: {  	s25 =	simm.s32 $0x1B8E;
	s24 =	sld [smem:$0x3FFE];
	[sflag:s23] =	ssyncadd.s32 $0xFFFFFFFF  }
0xa5: {  	s26 =	simm.s32 $execute0_lowered;
	[smem:$0x3FD2] =	sst s25  }
0xa6: {  	s5 =	sshll.u32 s26, $0x1;
	_ =	strace $0x80000049;
	[dreg:$0x1] =	wrdreg $0xFFFFFFFF  }
0xa7: {  	s28 =	simm.s32 $_size_execute0_lowered;
	s3 =	sadd.s32 s3, s5;
	[dreg:$0x0] =	wrdreg $0x0  }
0xa8: {  	s5 =	sshll.u32 s28, $0x1;
	[dreg:$0x2] =	wrdreg s3  }
0xa9: {  	[dreg:$0x3] =	wrdreg s5  }
0xaa: {  	[dreg:$0x4] =	wrdreg $0xC0  }
0xab: {  	_ =	task [dreg:s7], $0x5FFFF  }
0xac: {  	[dreg:$0x1] =	wrdreg $0xFFFFFFFF  }
0xad: {  	[dreg:$0x0] =	wrdreg $0x60  }
0xae: {  	[dreg:$0x2] =	wrdreg s24  }
0xaf: {  	[dreg:$0x3] =	wrdreg s2  }
0xb0: {  	[dreg:$0x4] =	wrdreg $0x81000  }
0xb1: {  	[dreg:$0x5] =	wrdreg $0x9  }
0xb2: {  	_ =	task.clear_ibuf [dreg:s7], $0x6FFFF;
	_ =	strace $0x90000049  }
0xb3: {  	s29 =	simm.s32 $0x9;
	_ =	strace $0x8000004B  }
0xb4: {  	_ =	swait.ge [sflag:s29], $0x1  }
0xb5: {  	[sflag:s29] =	ssyncadd.s32 $0xFFFFFFFF  }
0xb6: {  	_ =	strace $0x9000004B  }
0xb7: {  	_ =	sfence  }
0xb8: {  	s30 =	sld [smem:$0x0];
	_ =	sdelay $0x2  }
0xb9: {  	s31 =	sshll.u32 s1, $0xD;
	s1 =	sshrl.u32 s1, $0x2  }
0xba: {  	s3 =	sand.u32 $0x4000, s31;
	s1 =	sadd.s32 s1, s30  }
0xbb: {  	s0 =	sor.u32 s3, s0;
	s1 =	sshll.u32 s1, $0x11  }
0xbc: {  	s0 =	sor.u32 s1, s0  }
0xbd: {  	s0 =	sadd.s32 $0x8F2B, s0  }
0xbe: {  	[sflag:s0] =	ssyncadd.remote.s32 $0x1  }
0xbf: {  	_ =	sfence.sel $0xFFFF  }
0xc0: {  	[dreg:$0x0] =	wrdreg $0xFFFFFFFF;
	(pc) =	sbr.abs _section_cstart, $3  }
0xc1: {  	[dreg:$0x1] =	wrdreg $0xFFFFFFFF  }
0xc2: {  	_ =	task.clear_ibuf [dreg:s7], $0x2FFFF;
	_ =	strace $0x9FFFFFFF  }
0xc3: {  	(tm) =	ssettm $0x7FFFFFFF  }
tec
execute0_lowered:
.L_overlay_start_1:
0x0: {  	(tag) =	ssettag $0x1  }
0x1: {  	s4 =	rddreg [dreg:$0x0]  }
0x2: {  	s5 =	rddreg [dreg:$0x1];
	s1 =	srdreg.scid  }
0x3: {  	s0 =	stileid.u32;
	s2 =	rddreg [dreg:$0x2];
	s3 =	simm.s32 $0x0  }
0x4: {  	s16 =	simm.s32 $0x80;
	s17 =	simm.s32 $0x4100;
	s18 =	simm.s32 $0x1  }
0x5: {  	s20 =	simm.s32 $0x0;
	s6 =	sand.u32 $0x1, s1;
	s1 =	rddreg [dreg:$0x3]  }
0x6: {  	s7 =	smul.u32 $0xA400, s0;
	[smem:$0x7FF] =	sst s3;
	s9 =	sadd.s32 $0xEB2000, s4  }
0x7: {  	s11 =	smul.u32 $0x29000, s0;
	s12 =	sadd.s32 $0x2200, s4;
	s25 =	sshll.u32 s0, $0x6  }
0x8: {  	s26 =	sshll.u32 s0, $0x4;
	s28 =	sshll.u32 s0, $0x7;
	s29 =	sshll.u32 s0, $0xB  }
0x9: {  	p0 =	sgt.u32 s0, $0x3;
	s8 =	smul.u32 $0xA4000, s6;
	_ =	strace $0x8000004A  }
0xa: {  	s10 =	ssub.s32 $0x2, s6;
	s19 =	smul.u32 $0x1400, s6;
	s6 =	sadd.s32 s12, s26  }
0xb: {  	s23 =	sshrl.u32 s10, $0x1;
	s24 =	sshrl.u32 s11, $0x2;
	s8 =	sadd.s32 s7, s8  }
0xc: {  	s14 =	ssub.s32 s10, s23;
	s7 =	sshrl.u32 s7, $0x3;
	s15 =	sadd.s32 s24, s2  }
0xd: {  	v0 =	vmov s19;
	s19 =	simm.s32 $0x2;
	s8 =	sshrl.u32 s8, $0x3;
	s11 =	smax.u32 s14, $0x1  }
.Ltmp0:
0xe: {  	s14 =	simm.s32 $0x3;
	s13 =	sadd.s32 s8, s4;
	(pc) =	sbr.rel .LBB2_1-.Ltmp0, $4  }
0xf: {  	s4 =	sadd.s32 s5, s7;
	s5 =	sor.u32 $0x1C03, s25;
	s7 =	sor.u32 $0x4E000, s28  }
0x10: {  	s30 =	sshrl.u32 s7, $0x3;
	s31 =	sshll.u32 s7, $0x4;
	s7 =	sadd.s32 s9, s29  }
0x11: {  	s10 =	sadd.s32 $0xC000, s13;
	s13 =	sshrl.u32 s15, $0x3;
	s15 =	simm.s32 $0x100  }
0x12: {  	s8 =	sadd.s32 s12, s30;
	s9 =	sadd.s32 s9, s31;
	s12 =	sadd.s32 $0x200, s6  }
.LBB2_5:
0x13: {  	s20 =	sadd.s32 $0x1, s20  }
0x14: {  	p1 =	sne.s32 s20, s11  }
.Ltmp1:
0x15: {  	[bflag:$0x0] =	sbarrier.arrive $0xFFFF;
	(pc) =	sbr.rel @!p1 .LBB2_6-.Ltmp1, $4  }
0x16: {  	[hbm:s10], [sflag:s5] =	dma.local [spmem:s13], $0x1480  }
0x17: {  	_ =	swait.ge [sflag:s14], $0x1480  }
0x18: {  	[sflag:s14] =	ssyncset.done $0x0  }
0x19: {  	[sflag:s14] =	ssyncadd.s32 $0xFFFFEB80  }
.LBB2_1:
0x1a: {  	[spmem:s13], [sflag:s5] =	dma.local [hbm:s4], $0x1480  }
0x1b: {  	_ =	swait.ge [sflag:s14], $0x1480  }
0x1c: {  	[sflag:s14] =	ssyncset.done $0x0  }
0x1d: {  	[sflag:s14] =	ssyncadd.s32 $0xFFFFEB80  }
0x1e: {  	[bflag:$0x0] =	sbarrier.arrive $0xFFFF  }
0x1f: {  	[tilespmem:s3], [sflag:$0x1] =	stream.linear.gather [hbm4b:s6+s3], $0x80, $0x38;
	[tilespmem:$0x12500] =	vst v63  }
0x20: {  	s21 =	smov.u32 s12;
	s22 =	simm.s32 $0x0  }
0x21: {  	[tilespmem:s15], [sflag:$0x1] =	stream.linear.gather [hbm4b:s7+s3], $0x4000, $0x38;
	[tilespmem:$0x12500] =	vst v63  }
.LBB2_2:
0x22: {  	s23 =	sadd.s32 $0xFFFFFF00, s21;
	s31 =	sadd.s32 s22, s7  }
0x23: {  	[tilespmem:s16], [sflag:$0x2] =	stream.linear.gather [hbm4b:s23+s3], $0x80, $0x38;
	[tilespmem:$0x12500] =	vst v63  }
0x24: {  	s23 =	sadd.s32 $0x8000, s31  }
0x25: {  	[tilespmem:s17], [sflag:$0x2] =	stream.linear.gather [hbm4b:s23+s3], $0x4000, $0x38;
	[tilespmem:$0x12500] =	vst v63  }
0x26: {  	_ =	swait.ge [sflag:s18], $0x80  }
0x27: {  	[sflag:s18] =	ssyncset.done $0x0  }
0x28: {  	[sflag:s18] =	ssyncadd.s32 $0xFFFFFF80  }
0x29: {  	_ =	swait.ge [sflag:s18], $0x4000  }
0x2a: {  	[sflag:s18] =	ssyncset.done $0x0  }
0x2b: {  	[sflag:s18] =	ssyncadd.s32 $0xFFFFC000  }
0x2c: {  	v1 =	vld [tilespmem:$0x0]  }
0x2d: {  	v2 =	vld [tilespmem:$0x10]  }
0x2e: {  	v3 =	vld [tilespmem:$0x20]  }
0x2f: {  	v5 =	vld [tilespmem:$0x30]  }
0x30: {  	v7 =	vld [tilespmem:$0x40]  }
0x31: {  	v40 =	vld [tilespmem:$0x50]  }
0x32: {  	v9 =	vld [tilespmem:$0x60]  }
0x33: {  	v10 =	vld [tilespmem:$0x70]  }
0x34: {  	v4 =	vsub.s32 v1, v0;
	v1 =	vand.u32 $0x7F, v1;
	v6 =	vsub.s32 v2, v0  }
0x35: {  	v2 =	vand.u32 $0x7F, v2;
	v39 =	vsub.s32 v3, v0;
	v3 =	vand.u32 $0x7F, v3  }
0x36: {  	v8 =	vsub.s32 v5, v0;
	v41 =	vand.u32 $0x7F, v5;
	v42 =	vsub.s32 v7, v0  }
0x37: {  	v7 =	vand.u32 $0x7F, v7;
	v44 =	vsub.s32 v40, v0;
	v45 =	vand.u32 $0x7F, v40  }
0x38: {  	v46 =	vsub.s32 v9, v0;
	v47 =	vand.u32 $0x7F, v10;
	vm0 =	vgt.u32 v4, $0x13FF  }
0x39: {  	v1 =	vor.u32 $0x1400, v1;
	vm13 =	vgt.u32 v6, $0x13FF;
	v2 =	vor.u32 $0x1400, v2  }
0x3a: {  	vm14 =	vgt.u32 v39, $0x13FF;
	v3 =	vor.u32 $0x1400, v3;
	v1 =	vsel vm0, v1, v4  }
0x3b: {  	vm15 =	vgt.u32 v8, $0x13FF;
	vm4 =	vgt.u32 v42, $0x13FF;
	v2 =	vsel vm13, v2, v6;
	[tilespmem:$0x0] =	vst v1  }
0x3c: {  	v43 =	vor.u32 $0x1400, v7;
	v3 =	vsel vm14, v3, v39;
	v4 =	vor.u32 $0x1400, v41;
	[tilespmem:$0x10] =	vst v2  }
0x3d: {  	vm5 =	vgt.u32 v44, $0x13FF;
	v1 =	vsel vm15, v4, v8;
	[tilespmem:$0x20] =	vst v3;
	v3 =	vor.u32 $0x1400, v45  }
0x3e: {  	v2 =	vsel vm4, v43, v42;
	[tilespmem:$0x30] =	vst v1;
	v1 =	vsel vm5, v3, v44;
	v3 =	vand.u32 $0x7F, v9  }
0x3f: {  	vm6 =	vgt.u32 v46, $0x13FF;
	[tilespmem:$0x40] =	vst v2;
	v2 =	vor.u32 $0x1400, v3;
	v3 =	vsub.s32 v10, v0  }
0x40: {  	[tilespmem:$0x50] =	vst v1;
	v1 =	vsel vm6, v2, v46;
	vm7 =	vgt.u32 v3, $0x13FF;
	v2 =	vor.u32 $0x1400, v47  }
0x41: {  	[tilespmem:$0x60] =	vst v1;
	v1 =	vsel vm7, v2, v3  }
0x42: {  	[tilespmem:$0x70] =	vst v1  }
0x43: {  	[spmem:s2] =	stream.indirect.scatter.add.f32 [tilespmem:s15], [sflag:$0x3], $0x80, s3, s16, $0xb8;
	[tilespmem:$0x12500] =	vst v63  }
0x44: {  	_ =	swait.ge [sflag:s14], $0x4000  }
0x45: {  	p1 =	seq.s32 s22, $0x4D0000;
	[sflag:s14] =	ssyncset.done $0x0  }
0x46: {  	s24 =	sadd.s32 @!p1 s22, s7;
	s23 =	simm.s32 @!p1 $0x0;
	[sflag:s14] =	ssyncadd.s32 $0xFFFFC000  }
0x47: {  	[tilespmem:s23], [sflag:$0x1] =	stream.linear.gather @!p1 [hbm4b:s21+s23], $0x80, $0x38;
	[tilespmem:$0x12500] =	vst v63  }
0x48: {  	s25 =	simm.s32 @!p1 $0x100;
	s24 =	sadd.s32 @!p1 $0x10000, s24  }
0x49: {  	[tilespmem:s25], [sflag:$0x1] =	stream.linear.gather @!p1 [hbm4b:s24+s23], $0x4000, $0x38;
	[tilespmem:$0x12500] =	vst v63  }
0x4a: {  	_ =	swait.ge [sflag:s19], $0x80  }
0x4b: {  	[sflag:s19] =	ssyncset.done $0x0  }
0x4c: {  	[sflag:s19] =	ssyncadd.s32 $0xFFFFFF80  }
0x4d: {  	_ =	swait.ge [sflag:s19], $0x4000  }
0x4e: {  	[sflag:s19] =	ssyncset.done $0x0  }
0x4f: {  	[sflag:s19] =	ssyncadd.s32 $0xFFFFC000  }
0x50: {  	v1 =	vld [tilespmem:$0x80]  }
0x51: {  	v2 =	vld [tilespmem:$0x90]  }
0x52: {  	v3 =	vld [tilespmem:$0xA0]  }
0x53: {  	v49 =	vld [tilespmem:$0xB0]  }
0x54: {  	v51 =	vld [tilespmem:$0xC0]  }
0x55: {  	v53 =	vld [tilespmem:$0xD0]  }
0x56: {  	v55 =	vld [tilespmem:$0xE0]  }
0x57: {  	v58 =	vld [tilespmem:$0xF0]  }
0x58: {  	v48 =	vsub.s32 v1, v0;
	v1 =	vand.u32 $0x7F, v1;
	v50 =	vsub.s32 v2, v0  }
0x59: {  	v2 =	vand.u32 $0x7F, v2;
	v52 =	vsub.s32 v3, v0;
	v3 =	vand.u32 $0x7F, v3  }
0x5a: {  	v54 =	vsub.s32 v49, v0;
	v56 =	vand.u32 $0x7F, v49;
	v57 =	vsub.s32 v51, v0  }
0x5b: {  	v7 =	vand.u32 $0x7F, v51;
	v60 =	vsub.s32 v53, v0;
	v61 =	vand.u32 $0x7F, v53  }
0x5c: {  	v62 =	vsub.s32 v55, v0;
	v63 =	vand.u32 $0x7F, v58;
	vm8 =	vgt.u32 v48, $0x13FF  }
0x5d: {  	v1 =	vor.u32 $0x1400, v1;
	vm9 =	vgt.u32 v50, $0x13FF;
	v2 =	vor.u32 $0x1400, v2  }
0x5e: {  	vm10 =	vgt.u32 v52, $0x13FF;
	v3 =	vor.u32 $0x1400, v3;
	v1 =	vsel vm8, v1, v48  }
0x5f: {  	vm11 =	vgt.u32 v54, $0x13FF;
	v4 =	vor.u32 $0x1400, v56;
	v2 =	vsel vm9, v2, v50;
	[tilespmem:$0x80] =	vst v1  }
0x60: {  	vm12 =	vgt.u32 v57, $0x13FF;
	v59 =	vor.u32 $0x1400, v7;
	v3 =	vsel vm10, v3, v52;
	[tilespmem:$0x90] =	vst v2  }
0x61: {  	vm13 =	vgt.u32 v60, $0x13FF;
	v1 =	vsel vm11, v4, v54;
	[tilespmem:$0xA0] =	vst v3;
	v3 =	vor.u32 $0x1400, v61  }
0x62: {  	v2 =	vsel vm12, v59, v57;
	[tilespmem:$0xB0] =	vst v1;
	v1 =	vsel vm13, v3, v60;
	v3 =	vand.u32 $0x7F, v55  }
0x63: {  	vm14 =	vgt.u32 v62, $0x13FF;
	[tilespmem:$0xC0] =	vst v2;
	v2 =	vor.u32 $0x1400, v3;
	v3 =	vsub.s32 v58, v0  }
0x64: {  	s22 =	sadd.s32 $0x10000, s22;
	[tilespmem:$0xD0] =	vst v1;
	v1 =	vsel vm14, v2, v62;
	vm15 =	vgt.u32 v3, $0x13FF;
	v2 =	vor.u32 $0x1400, v63  }
0x65: {  	p1 =	sne.s32 s22, $0x4E0000;
	[tilespmem:$0xE0] =	vst v1;
	v1 =	vsel vm15, v2, v3  }
.Ltmp2:
0x66: {  	[tilespmem:$0xF0] =	vst v1;
	(pc) =	sbr.rel @p1 .LBB2_2-.Ltmp2, $4  }
0x67: {  	[spmem:s2] =	stream.indirect.scatter.add.f32 [tilespmem:s17], [sflag:$0x3], $0x80, s16, s16, $0xb8;
	[tilespmem:$0x12500] =	vst v63  }
0x68: {  	_ =	swait.ge [sflag:s14], $0x4000  }
0x69: {  	[sflag:s14] =	ssyncset.done $0x0  }
0x6a: {  	s21 =	sadd.s32 $0x200, s21;
	[sflag:s14] =	ssyncadd.s32 $0xFFFFC000  }
.Ltmp3:
0x6b: {  	(pc) =	sbr.rel @p0 .LBB2_5-.Ltmp3, $1  }
0x6c: {  	_ =	sdelay $0x3  }
0x6d: {  	[tilespmem:s3], [sflag:$0x3] =	stream.linear.gather [hbm4b:s8+s3], $0x80, $0x38;
	[tilespmem:$0x12500] =	vst v63  }
0x6e: {  	_ =	swait.ge [sflag:s14], $0x80  }
0x6f: {  	[sflag:s14] =	ssyncset.done $0x0  }
0x70: {  	[sflag:s14] =	ssyncadd.s32 $0xFFFFFF80  }
0x71: {  	[tilespmem:s15], [sflag:$0x3] =	stream.linear.gather [hbm4b:s9+s3], $0x4000, $0x38;
	[tilespmem:$0x12500] =	vst v63  }
0x72: {  	_ =	swait.ge [sflag:s14], $0x4000  }
0x73: {  	[sflag:s14] =	ssyncset.done $0x0  }
0x74: {  	[sflag:s14] =	ssyncadd.s32 $0xFFFFC000  }
0x75: {  	v1 =	vld [tilespmem:$0x0]  }
0x76: {  	v2 =	vld [tilespmem:$0x10]  }
0x77: {  	v3 =	vld [tilespmem:$0x20]  }
0x78: {  	v5 =	vld [tilespmem:$0x30]  }
0x79: {  	v7 =	vld [tilespmem:$0x40]  }
0x7a: {  	v56 =	vld [tilespmem:$0x50]  }
0x7b: {  	v9 =	vld [tilespmem:$0x60]  }
0x7c: {  	v10 =	vld [tilespmem:$0x70]  }
0x7d: {  	v4 =	vsub.s32 v1, v0;
	v1 =	vand.u32 $0x7F, v1;
	v6 =	vsub.s32 v2, v0  }
0x7e: {  	v2 =	vand.u32 $0x7F, v2;
	v55 =	vsub.s32 v3, v0;
	v3 =	vand.u32 $0x7F, v3  }
0x7f: {  	v8 =	vsub.s32 v5, v0;
	v57 =	vand.u32 $0x7F, v5;
	v58 =	vsub.s32 v7, v0  }
0x80: {  	v7 =	vand.u32 $0x7F, v7;
	v60 =	vsub.s32 v56, v0;
	v61 =	vand.u32 $0x7F, v56  }
0x81: {  	v62 =	vsub.s32 v9, v0;
	v63 =	vand.u32 $0x7F, v10;
	vm0 =	vgt.u32 v4, $0x13FF  }
0x82: {  	v1 =	vor.u32 $0x1400, v1;
	vm9 =	vgt.u32 v6, $0x13FF;
	v2 =	vor.u32 $0x1400, v2  }
0x83: {  	vm10 =	vgt.u32 v55, $0x13FF;
	v3 =	vor.u32 $0x1400, v3;
	v1 =	vsel vm0, v1, v4  }
0x84: {  	vm11 =	vgt.u32 v8, $0x13FF;
	vm12 =	vgt.u32 v58, $0x13FF;
	v2 =	vsel vm9, v2, v6;
	[tilespmem:$0x0] =	vst v1  }
0x85: {  	v59 =	vor.u32 $0x1400, v7;
	v3 =	vsel vm10, v3, v55;
	v4 =	vor.u32 $0x1400, v57;
	[tilespmem:$0x10] =	vst v2  }
0x86: {  	vm13 =	vgt.u32 v60, $0x13FF;
	v1 =	vsel vm11, v4, v8;
	[tilespmem:$0x20] =	vst v3;
	v3 =	vor.u32 $0x1400, v61  }
0x87: {  	v2 =	vsel vm12, v59, v58;
	[tilespmem:$0x30] =	vst v1;
	v1 =	vsel vm13, v3, v60;
	v3 =	vand.u32 $0x7F, v9  }
0x88: {  	vm14 =	vgt.u32 v62, $0x13FF;
	[tilespmem:$0x40] =	vst v2;
	v2 =	vor.u32 $0x1400, v3;
	v3 =	vsub.s32 v10, v0  }
0x89: {  	[tilespmem:$0x50] =	vst v1;
	v1 =	vsel vm14, v2, v62;
	vm15 =	vgt.u32 v3, $0x13FF;
	v2 =	vor.u32 $0x1400, v63  }
0x8a: {  	[tilespmem:$0x60] =	vst v1;
	v1 =	vsel vm15, v2, v3  }
.Ltmp4:
0x8b: {  	[tilespmem:$0x70] =	vst v1;
	(pc) =	sbr.rel .LBB2_5-.Ltmp4, $4  }
0x8c: {  	[spmem:s2] =	stream.indirect.scatter.add.f32 [tilespmem:s15], [sflag:$0x3], $0x80, s3, s16, $0xb8;
	[tilespmem:$0x12500] =	vst v63  }
0x8d: {  	_ =	swait.ge [sflag:s14], $0x4000  }
0x8e: {  	[sflag:s14] =	ssyncset.done $0x0  }
0x8f: {  	[sflag:s14] =	ssyncadd.s32 $0xFFFFC000  }
.LBB2_6:
0x90: {  	_ =	sfence.sel $0x180000  }
0x91: {  	[bflag:$0x0] =	sbarrier.arrive $0xFFFF  }
0x92: {  	p0 =	sne.s32 s0, $0x0;
	_ =	strace $0x9000004A  }
0x93: {  	s0 =	sadd.s32 @!p0 $0x100000, s1;
	[bflag:$0x2] =	sbarrier.arrive $0xFFFF  }
0x94: {  	[sflag:s0] =	ssyncadd.tile.s32 @!p0 $0x1;
	_ =	shalt  }
.Lfunc_end2:
_tile_overlayer_lowered:
.L_overlay_start_2:
0x95: {  	(tag) =	ssettag $0x2  }
0x96: {  	s0 =	rddreg [dreg:$0x0];
	s2 =	stileid.u32  }
0x97: {  	s1 =	rddreg [dreg:$0x1];
	p0 =	sne.s32 s2, $0x0  }
0x98: {  	s3 =	rddreg [dreg:$0x2];
	[bflag:$0x3] =	sbarrier.arrive $0xFFFF;
	s2 =	simm.s32 @!p0 $0x1C03  }
0x99: {  	[timem:s3], [sflag:s2] =	dma.local @!p0 [hbm:s0], s1  }
0x9a: {  	s0 =	simm.s32 @!p0 $0x3  }
0x9b: {  	_ =	swait.ge @!p0 [sflag:s0], s1  }
0x9c: {  	s1 =	ssub.s32 @!p0 $0x0, s1;
	[sflag:s0] =	ssyncset.done @!p0 $0x0  }
0x9d: {  	[sflag:s0] =	ssyncadd.s32 @!p0 s1  }
0x9e: {  	[bflag:$0x3] =	sbarrier.arrive $0xFFFF  }
0x9f: {  	_ =	shalt  }

</sc_bundles>
